<compile_context>
chip_gen: v7x
topology: tpu7x:2x2x1
jax: 0.10.2.dev20260603
libtpu: 0.0.44.dev20260713+nightly
codegen_flags: <defaults>
</compile_context>

<pallas_src>
import functools

import jax
import jax.numpy as jnp
from jax import lax
from jax.experimental import pallas as pl
from jax.experimental.pallas import tpu as pltpu
from jax.experimental.pallas import tpu_sc as plsc

_DIM = 768
_NC, _NS = 2, 16
_NW = _NC * _NS
_CH = 64


@functools.partial(jax.jit, static_argnums=(1, 2))
def _gather3(idx_3d, B, b_per_w, W0, W1, W2):
    n_ch = b_per_w // _CH
    mesh = plsc.VectorSubcoreMesh(core_axis_name="c", subcore_axis_name="s")

    @functools.partial(
        pl.kernel,
        mesh=mesh,
        out_type=[jax.ShapeDtypeStruct((B, _DIM), jnp.float32)] * 6,
        scratch_types=[
            pltpu.VMEM((n_ch, _CH), jnp.int32),
            pltpu.VMEM((_CH, _DIM), jnp.float32),
            pltpu.VMEM((_CH, _DIM), jnp.float32),
            pltpu.SemaphoreType.DMA,
            pltpu.SemaphoreType.DMA,
            pltpu.SemaphoreType.DMA,
            pltpu.SemaphoreType.DMA,
        ],
    )
    def k(idx_hbm, w0, w1, w2, o0, o1, o2, o3, o4, o5,
          idx_v, buf_a, buf_b, gs0, gs1, ws0, ws1):
        wid = lax.axis_index("s") * _NC + lax.axis_index("c")
        base = wid * b_per_w
        bufs, gsems, wsems = (buf_a, buf_b), (gs0, gs1), (ws0, ws1)
        pltpu.sync_copy(idx_hbm.at[wid], idx_v)

        steps = [(w, oa, ob, c)
                 for (w, oa, ob) in ((w0, o0, o3), (w1, o1, o4), (w2, o2, o5))
                 for c in range(n_ch)]
        n = len(steps)

        def start_gather(s):
            w, _, _, c = steps[s]
            b = s % 2
            return pltpu.async_copy(w.at[idx_v.at[c]], bufs[b], gsems[b])

        writes = [None] * n
        g = start_gather(0)
        for s in range(n):
            b = s % 2
            if s + 1 < n:
                if s >= 1:
                    for d in writes[s - 1]:
                        d.wait()
                g_next = start_gather(s + 1)
            g.wait()
            _, oa, ob, c = steps[s]
            dst = pl.ds(base + c * _CH, _CH)
            writes[s] = (
                pltpu.async_copy(bufs[b], oa.at[dst], wsems[b]),
                pltpu.async_copy(bufs[b], ob.at[dst], wsems[b]),
            )
            if s + 1 < n:
                g = g_next
        for s in (n - 2, n - 1):
            for d in writes[s]:
                d.wait()

    return k(idx_3d, W0, W1, W2)


def kernel(inputs, W0, W1, W2):
    Bc, S = inputs.shape
    B = Bc * S
    b_per_w = B // _NW
    idx_3d = inputs.reshape(_NW, b_per_w // _CH, _CH)
    outs = _gather3(idx_3d, B, b_per_w, W0, W1, W2)
    return tuple(o.reshape(Bc, S, _DIM) for o in outs)

# --- scband reference (transcript-rebuilt; emitter-appended) ---
"""Pipeline reference for scband-value-embedding-12644383719625 (READ-ONLY COPY).

The authoritative reference and input builder live on the scoring server;
editing this copy changes nothing except your own understanding.
"""

import jax, jax.numpy as jnp
import numpy as np

VOCAB = 100000
DIM = 768
B, S = 2, 2048


def setup_inputs(seed: int = 0) -> dict:
    key = jax.random.key(seed)
    k1, k2, k3, k4 = jax.random.split(key, 4)
    inputs = jax.random.randint(k1, (B, S), 0, VOCAB, dtype=jnp.int32)
    W0 = jax.random.normal(k2, (VOCAB, DIM), dtype=jnp.float32)
    W1 = jax.random.normal(k3, (VOCAB, DIM), dtype=jnp.float32)
    W2 = jax.random.normal(k4, (VOCAB, DIM), dtype=jnp.float32)
    return {"inputs": inputs, "W0": W0, "W1": W1, "W2": W2}


def reference(inputs, W0, W1, W2):
    # ValueEmbedding.forward: three independent embedding lookups on the
    # same token ids; the returned 12-slot list is
    # [ve0, ve1, ve2, None*6, ve0, ve1, ve2]. We return the 6 non-None
    # tensors in order (the None placeholders carry no computation).
    ve0 = jnp.take(W0, inputs, axis=0)
    ve1 = jnp.take(W1, inputs, axis=0)
    ve2 = jnp.take(W2, inputs, axis=0)
    return (ve0, ve1, ve2, ve0, ve1, ve2)

if __name__ == "__main__":
    import jax
    _d = setup_inputs()
    print(jax.jit(kernel)(*tuple(_d.values())))

</pallas_src>

<mosaic_0001>
#map = affine_map<(d0, d1) -> (0, 0, 0)>
#map1 = affine_map<(d0, d1) -> (0, 0)>
module attributes {stable_mosaic.version = 14 : i64} {
  func.func @k(%arg0: i32, %arg1: i32, %arg2: memref<32x2x64xi32, #tpu.memory_space<hbm>>, %arg3: memref<100000x768xf32, #tpu.memory_space<hbm>>, %arg4: memref<100000x768xf32, #tpu.memory_space<hbm>>, %arg5: memref<100000x768xf32, #tpu.memory_space<hbm>>, %arg6: memref<4096x768xf32, #tpu.memory_space<hbm>>, %arg7: memref<4096x768xf32, #tpu.memory_space<hbm>>, %arg8: memref<4096x768xf32, #tpu.memory_space<hbm>>, %arg9: memref<4096x768xf32, #tpu.memory_space<hbm>>, %arg10: memref<4096x768xf32, #tpu.memory_space<hbm>>, %arg11: memref<4096x768xf32, #tpu.memory_space<hbm>>, %arg12: memref<2x64xi32, #tpu.memory_space<vmem>>, %arg13: memref<64x768xf32, #tpu.memory_space<vmem>>, %arg14: memref<64x768xf32, #tpu.memory_space<vmem>>, %arg15: memref<!tpu.dma_semaphore, #tpu.memory_space<semaphore_mem>>, %arg16: memref<!tpu.dma_semaphore, #tpu.memory_space<semaphore_mem>>, %arg17: memref<!tpu.dma_semaphore, #tpu.memory_space<semaphore_mem>>, %arg18: memref<!tpu.dma_semaphore, #tpu.memory_space<semaphore_mem>>) attributes {dimension_semantics = [#tpu.dimension_semantics<core_parallel>, #tpu.dimension_semantics<subcore_parallel>], iteration_bounds = array<i64: 2, 16>, scalar_prefetch = 0 : i64, scratch_operands = 7 : i64, tpu.core_type = #tpu.core_type<sc_vector_subcore>, window_params = [{transform_indices = #map}, {transform_indices = #map1}, {transform_indices = #map1}, {transform_indices = #map1}, {transform_indices = #map1}, {transform_indices = #map1}, {transform_indices = #map1}, {transform_indices = #map1}, {transform_indices = #map1}, {transform_indices = #map1}]} {
    %mul3A = arith.constant 2 : i32
    %mul3A_0 = arith.muli %arg1, %mul3A : i32
    %add3A = arith.addi %mul3A_0, %arg0 : i32
    %mul3A_1 = arith.constant 128 : i32
    %mul3A_2 = arith.muli %add3A, %mul3A_1 : i32
    "tpu.region"() ({
      %run_scoped3A = tpu.sem_alloc : memref<!tpu.dma_semaphore, #tpu.memory_space<semaphore_mem>>
      %dma_start3A_193 = arith.constant 0 : i32
      %dma_start3A_194 = arith.constant 0 : i32
      %dma_start3A_195 = tpu.memref_slice %arg2[%add3A, %dma_start3A_193, %dma_start3A_194] : memref<32x2x64xi32, #tpu.memory_space<hbm>> -> memref<1x2x64xi32, #tpu.memory_space<hbm>>
      %dma_start3A_196 = tpu.memref_squeeze %dma_start3A_195 : memref<1x2x64xi32, #tpu.memory_space<hbm>> -> memref<2x64xi32, #tpu.memory_space<hbm>>
      %dma_start3A_197 = arith.constant 0 : i32
      %dma_start3A_198 = arith.constant 0 : i32
      %dma_start3A_199 = tpu.memref_slice %arg2[%add3A, %dma_start3A_197, %dma_start3A_198] : memref<32x2x64xi32, #tpu.memory_space<hbm>> -> memref<1x2x64xi32, #tpu.memory_space<hbm>>
      %dma_start3A_200 = tpu.memref_squeeze %dma_start3A_199 : memref<1x2x64xi32, #tpu.memory_space<hbm>> -> memref<2x64xi32, #tpu.memory_space<hbm>>
      tpu.enqueue_dma source(%dma_start3A_200 : memref<2x64xi32, #tpu.memory_space<hbm>>) target(%arg12 : memref<2x64xi32, #tpu.memory_space<vmem>>) target_semaphore(%run_scoped3A : memref<!tpu.dma_semaphore, #tpu.memory_space<semaphore_mem>>)
      %dma_wait3A_201 = arith.constant 0 : i32
      %dma_wait3A_202 = arith.constant 0 : i32
      %dma_wait3A_203 = tpu.memref_slice %arg2[%add3A, %dma_wait3A_201, %dma_wait3A_202] : memref<32x2x64xi32, #tpu.memory_space<hbm>> -> memref<1x2x64xi32, #tpu.memory_space<hbm>>
      %dma_wait3A_204 = tpu.memref_squeeze %dma_wait3A_203 : memref<1x2x64xi32, #tpu.memory_space<hbm>> -> memref<2x64xi32, #tpu.memory_space<hbm>>
      %dma_wait3A_205 = arith.constant 0 : i32
      %dma_wait3A_206 = arith.constant 0 : i32
      %dma_wait3A_207 = tpu.memref_slice %arg2[%add3A, %dma_wait3A_205, %dma_wait3A_206] : memref<32x2x64xi32, #tpu.memory_space<hbm>> -> memref<1x2x64xi32, #tpu.memory_space<hbm>>
      %dma_wait3A_208 = tpu.memref_squeeze %dma_wait3A_207 : memref<1x2x64xi32, #tpu.memory_space<hbm>> -> memref<2x64xi32, #tpu.memory_space<hbm>>
      tpu.wait_dma2 semaphore(%run_scoped3A : memref<!tpu.dma_semaphore, #tpu.memory_space<semaphore_mem>>) src(%dma_wait3A_208 : memref<2x64xi32, #tpu.memory_space<hbm>>) dst(%arg12 : memref<2x64xi32, #tpu.memory_space<vmem>>)
      tpu.yield
    }) : () -> ()
    %dma_start3A = arith.constant 0 : i32
    %dma_start3A_3 = arith.constant 0 : i32
    %dma_start3A_4 = tpu.memref_slice %arg12[%dma_start3A, %dma_start3A_3] : memref<2x64xi32, #tpu.memory_space<vmem>> -> memref<1x64xi32, #tpu.memory_space<vmem>>
    %dma_start3A_5 = tpu.memref_squeeze %dma_start3A_4 : memref<1x64xi32, #tpu.memory_space<vmem>> -> memref<64xi32, #tpu.memory_space<vmem>>
    %dma_start3A_6 = arith.constant 0 : i32
    %dma_start3A_7 = arith.constant 0 : i32
    %dma_start3A_8 = tpu.memref_slice %arg3[%dma_start3A_6, %dma_start3A_7] : memref<100000x768xf32, #tpu.memory_space<hbm>> -> memref<100000x768xf32, #tpu.memory_space<hbm>>
    tpu.enqueue_indirect_dma source(%dma_start3A_8 : memref<100000x768xf32, #tpu.memory_space<hbm>>) target(%arg13 : memref<64x768xf32, #tpu.memory_space<vmem>>) offsets(%dma_start3A_5 : memref<64xi32, #tpu.memory_space<vmem>>) semaphore(%arg15 : memref<!tpu.dma_semaphore, #tpu.memory_space<semaphore_mem>>)
    %dma_start3A_9 = arith.constant 1 : i32
    %dma_start3A_10 = arith.constant 0 : i32
    %dma_start3A_11 = tpu.memref_slice %arg12[%dma_start3A_9, %dma_start3A_10] : memref<2x64xi32, #tpu.memory_space<vmem>> -> memref<1x64xi32, #tpu.memory_space<vmem>>
    %dma_start3A_12 = tpu.memref_squeeze %dma_start3A_11 : memref<1x64xi32, #tpu.memory_space<vmem>> -> memref<64xi32, #tpu.memory_space<vmem>>
    %dma_start3A_13 = arith.constant 0 : i32
    %dma_start3A_14 = arith.constant 0 : i32
    %dma_start3A_15 = tpu.memref_slice %arg3[%dma_start3A_13, %dma_start3A_14] : memref<100000x768xf32, #tpu.memory_space<hbm>> -> memref<100000x768xf32, #tpu.memory_space<hbm>>
    tpu.enqueue_indirect_dma source(%dma_start3A_15 : memref<100000x768xf32, #tpu.memory_space<hbm>>) target(%arg14 : memref<64x768xf32, #tpu.memory_space<vmem>>) offsets(%dma_start3A_12 : memref<64xi32, #tpu.memory_space<vmem>>) semaphore(%arg16 : memref<!tpu.dma_semaphore, #tpu.memory_space<semaphore_mem>>)
    %dma_wait3A = arith.constant 0 : i32
    %dma_wait3A_16 = arith.constant 0 : i32
    %dma_wait3A_17 = tpu.memref_slice %arg12[%dma_wait3A, %dma_wait3A_16] : memref<2x64xi32, #tpu.memory_space<vmem>> -> memref<1x64xi32, #tpu.memory_space<vmem>>
    %dma_wait3A_18 = tpu.memref_squeeze %dma_wait3A_17 : memref<1x64xi32, #tpu.memory_space<vmem>> -> memref<64xi32, #tpu.memory_space<vmem>>
    %dma_wait3A_19 = arith.constant 0 : i32
    %dma_wait3A_20 = arith.constant 0 : i32
    %dma_wait3A_21 = tpu.memref_slice %arg3[%dma_wait3A_19, %dma_wait3A_20] : memref<100000x768xf32, #tpu.memory_space<hbm>> -> memref<100000x768xf32, #tpu.memory_space<hbm>>
    tpu.wait_indirect_dma semaphore(%arg15 : memref<!tpu.dma_semaphore, #tpu.memory_space<semaphore_mem>>) src(%dma_wait3A_21 : memref<100000x768xf32, #tpu.memory_space<hbm>>) dst(%arg13 : memref<64x768xf32, #tpu.memory_space<vmem>>)
    %add3A_22 = arith.constant 0 : i32
    %add3A_23 = arith.addi %mul3A_2, %add3A_22 : i32
    %dma_start3A_24 = arith.constant 0 : i32
    %dma_start3A_25 = tpu.memref_slice %arg6[%add3A_23, %dma_start3A_24] : memref<4096x768xf32, #tpu.memory_space<hbm>> -> memref<64x768xf32, #tpu.memory_space<hbm>>
    %dma_start3A_26 = arith.constant 0 : i32
    %dma_start3A_27 = tpu.memref_slice %arg6[%add3A_23, %dma_start3A_26] : memref<4096x768xf32, #tpu.memory_space<hbm>> -> memref<64x768xf32, #tpu.memory_space<hbm>>
    tpu.enqueue_dma source(%arg13 : memref<64x768xf32, #tpu.memory_space<vmem>>) target(%dma_start3A_27 : memref<64x768xf32, #tpu.memory_space<hbm>>) target_semaphore(%arg17 : memref<!tpu.dma_semaphore, #tpu.memory_space<semaphore_mem>>)
    %dma_start3A_28 = arith.constant 0 : i32
    %dma_start3A_29 = tpu.memref_slice %arg9[%add3A_23, %dma_start3A_28] : memref<4096x768xf32, #tpu.memory_space<hbm>> -> memref<64x768xf32, #tpu.memory_space<hbm>>
    %dma_start3A_30 = arith.constant 0 : i32
    %dma_start3A_31 = tpu.memref_slice %arg9[%add3A_23, %dma_start3A_30] : memref<4096x768xf32, #tpu.memory_space<hbm>> -> memref<64x768xf32, #tpu.memory_space<hbm>>
    tpu.enqueue_dma source(%arg13 : memref<64x768xf32, #tpu.memory_space<vmem>>) target(%dma_start3A_31 : memref<64x768xf32, #tpu.memory_space<hbm>>) target_semaphore(%arg17 : memref<!tpu.dma_semaphore, #tpu.memory_space<semaphore_mem>>)
    %dma_wait3A_32 = arith.constant 0 : i32
    %dma_wait3A_33 = tpu.memref_slice %arg6[%add3A_23, %dma_wait3A_32] : memref<4096x768xf32, #tpu.memory_space<hbm>> -> memref<64x768xf32, #tpu.memory_space<hbm>>
    %dma_wait3A_34 = arith.constant 0 : i32
    %dma_wait3A_35 = tpu.memref_slice %arg6[%add3A_23, %dma_wait3A_34] : memref<4096x768xf32, #tpu.memory_space<hbm>> -> memref<64x768xf32, #tpu.memory_space<hbm>>
    tpu.wait_dma2 semaphore(%arg17 : memref<!tpu.dma_semaphore, #tpu.memory_space<semaphore_mem>>) src(%arg13 : memref<64x768xf32, #tpu.memory_space<vmem>>) dst(%dma_wait3A_35 : memref<64x768xf32, #tpu.memory_space<hbm>>)
    %dma_wait3A_36 = arith.constant 0 : i32
    %dma_wait3A_37 = tpu.memref_slice %arg9[%add3A_23, %dma_wait3A_36] : memref<4096x768xf32, #tpu.memory_space<hbm>> -> memref<64x768xf32, #tpu.memory_space<hbm>>
    %dma_wait3A_38 = arith.constant 0 : i32
    %dma_wait3A_39 = tpu.memref_slice %arg9[%add3A_23, %dma_wait3A_38] : memref<4096x768xf32, #tpu.memory_space<hbm>> -> memref<64x768xf32, #tpu.memory_space<hbm>>
    tpu.wait_dma2 semaphore(%arg17 : memref<!tpu.dma_semaphore, #tpu.memory_space<semaphore_mem>>) src(%arg13 : memref<64x768xf32, #tpu.memory_space<vmem>>) dst(%dma_wait3A_39 : memref<64x768xf32, #tpu.memory_space<hbm>>)
    %dma_start3A_40 = arith.constant 0 : i32
    %dma_start3A_41 = arith.constant 0 : i32
    %dma_start3A_42 = tpu.memref_slice %arg12[%dma_start3A_40, %dma_start3A_41] : memref<2x64xi32, #tpu.memory_space<vmem>> -> memref<1x64xi32, #tpu.memory_space<vmem>>
    %dma_start3A_43 = tpu.memref_squeeze %dma_start3A_42 : memref<1x64xi32, #tpu.memory_space<vmem>> -> memref<64xi32, #tpu.memory_space<vmem>>
    %dma_start3A_44 = arith.constant 0 : i32
    %dma_start3A_45 = arith.constant 0 : i32
    %dma_start3A_46 = tpu.memref_slice %arg4[%dma_start3A_44, %dma_start3A_45] : memref<100000x768xf32, #tpu.memory_space<hbm>> -> memref<100000x768xf32, #tpu.memory_space<hbm>>
    tpu.enqueue_indirect_dma source(%dma_start3A_46 : memref<100000x768xf32, #tpu.memory_space<hbm>>) target(%arg13 : memref<64x768xf32, #tpu.memory_space<vmem>>) offsets(%dma_start3A_43 : memref<64xi32, #tpu.memory_space<vmem>>) semaphore(%arg15 : memref<!tpu.dma_semaphore, #tpu.memory_space<semaphore_mem>>)
    %dma_wait3A_47 = arith.constant 1 : i32
    %dma_wait3A_48 = arith.constant 0 : i32
    %dma_wait3A_49 = tpu.memref_slice %arg12[%dma_wait3A_47, %dma_wait3A_48] : memref<2x64xi32, #tpu.memory_space<vmem>> -> memref<1x64xi32, #tpu.memory_space<vmem>>
    %dma_wait3A_50 = tpu.memref_squeeze %dma_wait3A_49 : memref<1x64xi32, #tpu.memory_space<vmem>> -> memref<64xi32, #tpu.memory_space<vmem>>
    %dma_wait3A_51 = arith.constant 0 : i32
    %dma_wait3A_52 = arith.constant 0 : i32
    %dma_wait3A_53 = tpu.memref_slice %arg3[%dma_wait3A_51, %dma_wait3A_52] : memref<100000x768xf32, #tpu.memory_space<hbm>> -> memref<100000x768xf32, #tpu.memory_space<hbm>>
    tpu.wait_indirect_dma semaphore(%arg16 : memref<!tpu.dma_semaphore, #tpu.memory_space<semaphore_mem>>) src(%dma_wait3A_53 : memref<100000x768xf32, #tpu.memory_space<hbm>>) dst(%arg14 : memref<64x768xf32, #tpu.memory_space<vmem>>)
    %add3A_54 = arith.constant 64 : i32
    %add3A_55 = arith.addi %mul3A_2, %add3A_54 : i32
    %dma_start3A_56 = arith.constant 0 : i32
    %dma_start3A_57 = tpu.memref_slice %arg6[%add3A_55, %dma_start3A_56] : memref<4096x768xf32, #tpu.memory_space<hbm>> -> memref<64x768xf32, #tpu.memory_space<hbm>>
    %dma_start3A_58 = arith.constant 0 : i32
    %dma_start3A_59 = tpu.memref_slice %arg6[%add3A_55, %dma_start3A_58] : memref<4096x768xf32, #tpu.memory_space<hbm>> -> memref<64x768xf32, #tpu.memory_space<hbm>>
    tpu.enqueue_dma source(%arg14 : memref<64x768xf32, #tpu.memory_space<vmem>>) target(%dma_start3A_59 : memref<64x768xf32, #tpu.memory_space<hbm>>) target_semaphore(%arg18 : memref<!tpu.dma_semaphore, #tpu.memory_space<semaphore_mem>>)
    %dma_start3A_60 = arith.constant 0 : i32
    %dma_start3A_61 = tpu.memref_slice %arg9[%add3A_55, %dma_start3A_60] : memref<4096x768xf32, #tpu.memory_space<hbm>> -> memref<64x768xf32, #tpu.memory_space<hbm>>
    %dma_start3A_62 = arith.constant 0 : i32
    %dma_start3A_63 = tpu.memref_slice %arg9[%add3A_55, %dma_start3A_62] : memref<4096x768xf32, #tpu.memory_space<hbm>> -> memref<64x768xf32, #tpu.memory_space<hbm>>
    tpu.enqueue_dma source(%arg14 : memref<64x768xf32, #tpu.memory_space<vmem>>) target(%dma_start3A_63 : memref<64x768xf32, #tpu.memory_space<hbm>>) target_semaphore(%arg18 : memref<!tpu.dma_semaphore, #tpu.memory_space<semaphore_mem>>)
    %dma_wait3A_64 = arith.constant 0 : i32
    %dma_wait3A_65 = tpu.memref_slice %arg6[%add3A_55, %dma_wait3A_64] : memref<4096x768xf32, #tpu.memory_space<hbm>> -> memref<64x768xf32, #tpu.memory_space<hbm>>
    %dma_wait3A_66 = arith.constant 0 : i32
    %dma_wait3A_67 = tpu.memref_slice %arg6[%add3A_55, %dma_wait3A_66] : memref<4096x768xf32, #tpu.memory_space<hbm>> -> memref<64x768xf32, #tpu.memory_space<hbm>>
    tpu.wait_dma2 semaphore(%arg18 : memref<!tpu.dma_semaphore, #tpu.memory_space<semaphore_mem>>) src(%arg14 : memref<64x768xf32, #tpu.memory_space<vmem>>) dst(%dma_wait3A_67 : memref<64x768xf32, #tpu.memory_space<hbm>>)
    %dma_wait3A_68 = arith.constant 0 : i32
    %dma_wait3A_69 = tpu.memref_slice %arg9[%add3A_55, %dma_wait3A_68] : memref<4096x768xf32, #tpu.memory_space<hbm>> -> memref<64x768xf32, #tpu.memory_space<hbm>>
    %dma_wait3A_70 = arith.constant 0 : i32
    %dma_wait3A_71 = tpu.memref_slice %arg9[%add3A_55, %dma_wait3A_70] : memref<4096x768xf32, #tpu.memory_space<hbm>> -> memref<64x768xf32, #tpu.memory_space<hbm>>
    tpu.wait_dma2 semaphore(%arg18 : memref<!tpu.dma_semaphore, #tpu.memory_space<semaphore_mem>>) src(%arg14 : memref<64x768xf32, #tpu.memory_space<vmem>>) dst(%dma_wait3A_71 : memref<64x768xf32, #tpu.memory_space<hbm>>)
    %dma_start3A_72 = arith.constant 1 : i32
    %dma_start3A_73 = arith.constant 0 : i32
    %dma_start3A_74 = tpu.memref_slice %arg12[%dma_start3A_72, %dma_start3A_73] : memref<2x64xi32, #tpu.memory_space<vmem>> -> memref<1x64xi32, #tpu.memory_space<vmem>>
    %dma_start3A_75 = tpu.memref_squeeze %dma_start3A_74 : memref<1x64xi32, #tpu.memory_space<vmem>> -> memref<64xi32, #tpu.memory_space<vmem>>
    %dma_start3A_76 = arith.constant 0 : i32
    %dma_start3A_77 = arith.constant 0 : i32
    %dma_start3A_78 = tpu.memref_slice %arg4[%dma_start3A_76, %dma_start3A_77] : memref<100000x768xf32, #tpu.memory_space<hbm>> -> memref<100000x768xf32, #tpu.memory_space<hbm>>
    tpu.enqueue_indirect_dma source(%dma_start3A_78 : memref<100000x768xf32, #tpu.memory_space<hbm>>) target(%arg14 : memref<64x768xf32, #tpu.memory_space<vmem>>) offsets(%dma_start3A_75 : memref<64xi32, #tpu.memory_space<vmem>>) semaphore(%arg16 : memref<!tpu.dma_semaphore, #tpu.memory_space<semaphore_mem>>)
    %dma_wait3A_79 = arith.constant 0 : i32
    %dma_wait3A_80 = arith.constant 0 : i32
    %dma_wait3A_81 = tpu.memref_slice %arg12[%dma_wait3A_79, %dma_wait3A_80] : memref<2x64xi32, #tpu.memory_space<vmem>> -> memref<1x64xi32, #tpu.memory_space<vmem>>
    %dma_wait3A_82 = tpu.memref_squeeze %dma_wait3A_81 : memref<1x64xi32, #tpu.memory_space<vmem>> -> memref<64xi32, #tpu.memory_space<vmem>>
    %dma_wait3A_83 = arith.constant 0 : i32
    %dma_wait3A_84 = arith.constant 0 : i32
    %dma_wait3A_85 = tpu.memref_slice %arg4[%dma_wait3A_83, %dma_wait3A_84] : memref<100000x768xf32, #tpu.memory_space<hbm>> -> memref<100000x768xf32, #tpu.memory_space<hbm>>
    tpu.wait_indirect_dma semaphore(%arg15 : memref<!tpu.dma_semaphore, #tpu.memory_space<semaphore_mem>>) src(%dma_wait3A_85 : memref<100000x768xf32, #tpu.memory_space<hbm>>) dst(%arg13 : memref<64x768xf32, #tpu.memory_space<vmem>>)
    %add3A_86 = arith.constant 0 : i32
    %add3A_87 = arith.addi %mul3A_2, %add3A_86 : i32
    %dma_start3A_88 = arith.constant 0 : i32
    %dma_start3A_89 = tpu.memref_slice %arg7[%add3A_87, %dma_start3A_88] : memref<4096x768xf32, #tpu.memory_space<hbm>> -> memref<64x768xf32, #tpu.memory_space<hbm>>
    %dma_start3A_90 = arith.constant 0 : i32
    %dma_start3A_91 = tpu.memref_slice %arg7[%add3A_87, %dma_start3A_90] : memref<4096x768xf32, #tpu.memory_space<hbm>> -> memref<64x768xf32, #tpu.memory_space<hbm>>
    tpu.enqueue_dma source(%arg13 : memref<64x768xf32, #tpu.memory_space<vmem>>) target(%dma_start3A_91 : memref<64x768xf32, #tpu.memory_space<hbm>>) target_semaphore(%arg17 : memref<!tpu.dma_semaphore, #tpu.memory_space<semaphore_mem>>)
    %dma_start3A_92 = arith.constant 0 : i32
    %dma_start3A_93 = tpu.memref_slice %arg10[%add3A_87, %dma_start3A_92] : memref<4096x768xf32, #tpu.memory_space<hbm>> -> memref<64x768xf32, #tpu.memory_space<hbm>>
    %dma_start3A_94 = arith.constant 0 : i32
    %dma_start3A_95 = tpu.memref_slice %arg10[%add3A_87, %dma_start3A_94] : memref<4096x768xf32, #tpu.memory_space<hbm>> -> memref<64x768xf32, #tpu.memory_space<hbm>>
    tpu.enqueue_dma source(%arg13 : memref<64x768xf32, #tpu.memory_space<vmem>>) target(%dma_start3A_95 : memref<64x768xf32, #tpu.memory_space<hbm>>) target_semaphore(%arg17 : memref<!tpu.dma_semaphore, #tpu.memory_space<semaphore_mem>>)
    %dma_wait3A_96 = arith.constant 0 : i32
    %dma_wait3A_97 = tpu.memref_slice %arg7[%add3A_87, %dma_wait3A_96] : memref<4096x768xf32, #tpu.memory_space<hbm>> -> memref<64x768xf32, #tpu.memory_space<hbm>>
    %dma_wait3A_98 = arith.constant 0 : i32
    %dma_wait3A_99 = tpu.memref_slice %arg7[%add3A_87, %dma_wait3A_98] : memref<4096x768xf32, #tpu.memory_space<hbm>> -> memref<64x768xf32, #tpu.memory_space<hbm>>
    tpu.wait_dma2 semaphore(%arg17 : memref<!tpu.dma_semaphore, #tpu.memory_space<semaphore_mem>>) src(%arg13 : memref<64x768xf32, #tpu.memory_space<vmem>>) dst(%dma_wait3A_99 : memref<64x768xf32, #tpu.memory_space<hbm>>)
    %dma_wait3A_100 = arith.constant 0 : i32
    %dma_wait3A_101 = tpu.memref_slice %arg10[%add3A_87, %dma_wait3A_100] : memref<4096x768xf32, #tpu.memory_space<hbm>> -> memref<64x768xf32, #tpu.memory_space<hbm>>
    %dma_wait3A_102 = arith.constant 0 : i32
    %dma_wait3A_103 = tpu.memref_slice %arg10[%add3A_87, %dma_wait3A_102] : memref<4096x768xf32, #tpu.memory_space<hbm>> -> memref<64x768xf32, #tpu.memory_space<hbm>>
    tpu.wait_dma2 semaphore(%arg17 : memref<!tpu.dma_semaphore, #tpu.memory_space<semaphore_mem>>) src(%arg13 : memref<64x768xf32, #tpu.memory_space<vmem>>) dst(%dma_wait3A_103 : memref<64x768xf32, #tpu.memory_space<hbm>>)
    %dma_start3A_104 = arith.constant 0 : i32
    %dma_start3A_105 = arith.constant 0 : i32
    %dma_start3A_106 = tpu.memref_slice %arg12[%dma_start3A_104, %dma_start3A_105] : memref<2x64xi32, #tpu.memory_space<vmem>> -> memref<1x64xi32, #tpu.memory_space<vmem>>
    %dma_start3A_107 = tpu.memref_squeeze %dma_start3A_106 : memref<1x64xi32, #tpu.memory_space<vmem>> -> memref<64xi32, #tpu.memory_space<vmem>>
    %dma_start3A_108 = arith.constant 0 : i32
    %dma_start3A_109 = arith.constant 0 : i32
    %dma_start3A_110 = tpu.memref_slice %arg5[%dma_start3A_108, %dma_start3A_109] : memref<100000x768xf32, #tpu.memory_space<hbm>> -> memref<100000x768xf32, #tpu.memory_space<hbm>>
    tpu.enqueue_indirect_dma source(%dma_start3A_110 : memref<100000x768xf32, #tpu.memory_space<hbm>>) target(%arg13 : memref<64x768xf32, #tpu.memory_space<vmem>>) offsets(%dma_start3A_107 : memref<64xi32, #tpu.memory_space<vmem>>) semaphore(%arg15 : memref<!tpu.dma_semaphore, #tpu.memory_space<semaphore_mem>>)
    %dma_wait3A_111 = arith.constant 1 : i32
    %dma_wait3A_112 = arith.constant 0 : i32
    %dma_wait3A_113 = tpu.memref_slice %arg12[%dma_wait3A_111, %dma_wait3A_112] : memref<2x64xi32, #tpu.memory_space<vmem>> -> memref<1x64xi32, #tpu.memory_space<vmem>>
    %dma_wait3A_114 = tpu.memref_squeeze %dma_wait3A_113 : memref<1x64xi32, #tpu.memory_space<vmem>> -> memref<64xi32, #tpu.memory_space<vmem>>
    %dma_wait3A_115 = arith.constant 0 : i32
    %dma_wait3A_116 = arith.constant 0 : i32
    %dma_wait3A_117 = tpu.memref_slice %arg4[%dma_wait3A_115, %dma_wait3A_116] : memref<100000x768xf32, #tpu.memory_space<hbm>> -> memref<100000x768xf32, #tpu.memory_space<hbm>>
    tpu.wait_indirect_dma semaphore(%arg16 : memref<!tpu.dma_semaphore, #tpu.memory_space<semaphore_mem>>) src(%dma_wait3A_117 : memref<100000x768xf32, #tpu.memory_space<hbm>>) dst(%arg14 : memref<64x768xf32, #tpu.memory_space<vmem>>)
    %add3A_118 = arith.constant 64 : i32
    %add3A_119 = arith.addi %mul3A_2, %add3A_118 : i32
    %dma_start3A_120 = arith.constant 0 : i32
    %dma_start3A_121 = tpu.memref_slice %arg7[%add3A_119, %dma_start3A_120] : memref<4096x768xf32, #tpu.memory_space<hbm>> -> memref<64x768xf32, #tpu.memory_space<hbm>>
    %dma_start3A_122 = arith.constant 0 : i32
    %dma_start3A_123 = tpu.memref_slice %arg7[%add3A_119, %dma_start3A_122] : memref<4096x768xf32, #tpu.memory_space<hbm>> -> memref<64x768xf32, #tpu.memory_space<hbm>>
    tpu.enqueue_dma source(%arg14 : memref<64x768xf32, #tpu.memory_space<vmem>>) target(%dma_start3A_123 : memref<64x768xf32, #tpu.memory_space<hbm>>) target_semaphore(%arg18 : memref<!tpu.dma_semaphore, #tpu.memory_space<semaphore_mem>>)
    %dma_start3A_124 = arith.constant 0 : i32
    %dma_start3A_125 = tpu.memref_slice %arg10[%add3A_119, %dma_start3A_124] : memref<4096x768xf32, #tpu.memory_space<hbm>> -> memref<64x768xf32, #tpu.memory_space<hbm>>
    %dma_start3A_126 = arith.constant 0 : i32
    %dma_start3A_127 = tpu.memref_slice %arg10[%add3A_119, %dma_start3A_126] : memref<4096x768xf32, #tpu.memory_space<hbm>> -> memref<64x768xf32, #tpu.memory_space<hbm>>
    tpu.enqueue_dma source(%arg14 : memref<64x768xf32, #tpu.memory_space<vmem>>) target(%dma_start3A_127 : memref<64x768xf32, #tpu.memory_space<hbm>>) target_semaphore(%arg18 : memref<!tpu.dma_semaphore, #tpu.memory_space<semaphore_mem>>)
    %dma_wait3A_128 = arith.constant 0 : i32
    %dma_wait3A_129 = tpu.memref_slice %arg7[%add3A_119, %dma_wait3A_128] : memref<4096x768xf32, #tpu.memory_space<hbm>> -> memref<64x768xf32, #tpu.memory_space<hbm>>
    %dma_wait3A_130 = arith.constant 0 : i32
    %dma_wait3A_131 = tpu.memref_slice %arg7[%add3A_119, %dma_wait3A_130] : memref<4096x768xf32, #tpu.memory_space<hbm>> -> memref<64x768xf32, #tpu.memory_space<hbm>>
    tpu.wait_dma2 semaphore(%arg18 : memref<!tpu.dma_semaphore, #tpu.memory_space<semaphore_mem>>) src(%arg14 : memref<64x768xf32, #tpu.memory_space<vmem>>) dst(%dma_wait3A_131 : memref<64x768xf32, #tpu.memory_space<hbm>>)
    %dma_wait3A_132 = arith.constant 0 : i32
    %dma_wait3A_133 = tpu.memref_slice %arg10[%add3A_119, %dma_wait3A_132] : memref<4096x768xf32, #tpu.memory_space<hbm>> -> memref<64x768xf32, #tpu.memory_space<hbm>>
    %dma_wait3A_134 = arith.constant 0 : i32
    %dma_wait3A_135 = tpu.memref_slice %arg10[%add3A_119, %dma_wait3A_134] : memref<4096x768xf32, #tpu.memory_space<hbm>> -> memref<64x768xf32, #tpu.memory_space<hbm>>
    tpu.wait_dma2 semaphore(%arg18 : memref<!tpu.dma_semaphore, #tpu.memory_space<semaphore_mem>>) src(%arg14 : memref<64x768xf32, #tpu.memory_space<vmem>>) dst(%dma_wait3A_135 : memref<64x768xf32, #tpu.memory_space<hbm>>)
    %dma_start3A_136 = arith.constant 1 : i32
    %dma_start3A_137 = arith.constant 0 : i32
    %dma_start3A_138 = tpu.memref_slice %arg12[%dma_start3A_136, %dma_start3A_137] : memref<2x64xi32, #tpu.memory_space<vmem>> -> memref<1x64xi32, #tpu.memory_space<vmem>>
    %dma_start3A_139 = tpu.memref_squeeze %dma_start3A_138 : memref<1x64xi32, #tpu.memory_space<vmem>> -> memref<64xi32, #tpu.memory_space<vmem>>
    %dma_start3A_140 = arith.constant 0 : i32
    %dma_start3A_141 = arith.constant 0 : i32
    %dma_start3A_142 = tpu.memref_slice %arg5[%dma_start3A_140, %dma_start3A_141] : memref<100000x768xf32, #tpu.memory_space<hbm>> -> memref<100000x768xf32, #tpu.memory_space<hbm>>
    tpu.enqueue_indirect_dma source(%dma_start3A_142 : memref<100000x768xf32, #tpu.memory_space<hbm>>) target(%arg14 : memref<64x768xf32, #tpu.memory_space<vmem>>) offsets(%dma_start3A_139 : memref<64xi32, #tpu.memory_space<vmem>>) semaphore(%arg16 : memref<!tpu.dma_semaphore, #tpu.memory_space<semaphore_mem>>)
    %dma_wait3A_143 = arith.constant 0 : i32
    %dma_wait3A_144 = arith.constant 0 : i32
    %dma_wait3A_145 = tpu.memref_slice %arg12[%dma_wait3A_143, %dma_wait3A_144] : memref<2x64xi32, #tpu.memory_space<vmem>> -> memref<1x64xi32, #tpu.memory_space<vmem>>
    %dma_wait3A_146 = tpu.memref_squeeze %dma_wait3A_145 : memref<1x64xi32, #tpu.memory_space<vmem>> -> memref<64xi32, #tpu.memory_space<vmem>>
    %dma_wait3A_147 = arith.constant 0 : i32
    %dma_wait3A_148 = arith.constant 0 : i32
    %dma_wait3A_149 = tpu.memref_slice %arg5[%dma_wait3A_147, %dma_wait3A_148] : memref<100000x768xf32, #tpu.memory_space<hbm>> -> memref<100000x768xf32, #tpu.memory_space<hbm>>
    tpu.wait_indirect_dma semaphore(%arg15 : memref<!tpu.dma_semaphore, #tpu.memory_space<semaphore_mem>>) src(%dma_wait3A_149 : memref<100000x768xf32, #tpu.memory_space<hbm>>) dst(%arg13 : memref<64x768xf32, #tpu.memory_space<vmem>>)
    %add3A_150 = arith.constant 0 : i32
    %add3A_151 = arith.addi %mul3A_2, %add3A_150 : i32
    %dma_start3A_152 = arith.constant 0 : i32
    %dma_start3A_153 = tpu.memref_slice %arg8[%add3A_151, %dma_start3A_152] : memref<4096x768xf32, #tpu.memory_space<hbm>> -> memref<64x768xf32, #tpu.memory_space<hbm>>
    %dma_start3A_154 = arith.constant 0 : i32
    %dma_start3A_155 = tpu.memref_slice %arg8[%add3A_151, %dma_start3A_154] : memref<4096x768xf32, #tpu.memory_space<hbm>> -> memref<64x768xf32, #tpu.memory_space<hbm>>
    tpu.enqueue_dma source(%arg13 : memref<64x768xf32, #tpu.memory_space<vmem>>) target(%dma_start3A_155 : memref<64x768xf32, #tpu.memory_space<hbm>>) target_semaphore(%arg17 : memref<!tpu.dma_semaphore, #tpu.memory_space<semaphore_mem>>)
    %dma_start3A_156 = arith.constant 0 : i32
    %dma_start3A_157 = tpu.memref_slice %arg11[%add3A_151, %dma_start3A_156] : memref<4096x768xf32, #tpu.memory_space<hbm>> -> memref<64x768xf32, #tpu.memory_space<hbm>>
    %dma_start3A_158 = arith.constant 0 : i32
    %dma_start3A_159 = tpu.memref_slice %arg11[%add3A_151, %dma_start3A_158] : memref<4096x768xf32, #tpu.memory_space<hbm>> -> memref<64x768xf32, #tpu.memory_space<hbm>>
    tpu.enqueue_dma source(%arg13 : memref<64x768xf32, #tpu.memory_space<vmem>>) target(%dma_start3A_159 : memref<64x768xf32, #tpu.memory_space<hbm>>) target_semaphore(%arg17 : memref<!tpu.dma_semaphore, #tpu.memory_space<semaphore_mem>>)
    %dma_wait3A_160 = arith.constant 1 : i32
    %dma_wait3A_161 = arith.constant 0 : i32
    %dma_wait3A_162 = tpu.memref_slice %arg12[%dma_wait3A_160, %dma_wait3A_161] : memref<2x64xi32, #tpu.memory_space<vmem>> -> memref<1x64xi32, #tpu.memory_space<vmem>>
    %dma_wait3A_163 = tpu.memref_squeeze %dma_wait3A_162 : memref<1x64xi32, #tpu.memory_space<vmem>> -> memref<64xi32, #tpu.memory_space<vmem>>
    %dma_wait3A_164 = arith.constant 0 : i32
    %dma_wait3A_165 = arith.constant 0 : i32
    %dma_wait3A_166 = tpu.memref_slice %arg5[%dma_wait3A_164, %dma_wait3A_165] : memref<100000x768xf32, #tpu.memory_space<hbm>> -> memref<100000x768xf32, #tpu.memory_space<hbm>>
    tpu.wait_indirect_dma semaphore(%arg16 : memref<!tpu.dma_semaphore, #tpu.memory_space<semaphore_mem>>) src(%dma_wait3A_166 : memref<100000x768xf32, #tpu.memory_space<hbm>>) dst(%arg14 : memref<64x768xf32, #tpu.memory_space<vmem>>)
    %add3A_167 = arith.constant 64 : i32
    %add3A_168 = arith.addi %mul3A_2, %add3A_167 : i32
    %dma_start3A_169 = arith.constant 0 : i32
    %dma_start3A_170 = tpu.memref_slice %arg8[%add3A_168, %dma_start3A_169] : memref<4096x768xf32, #tpu.memory_space<hbm>> -> memref<64x768xf32, #tpu.memory_space<hbm>>
    %dma_start3A_171 = arith.constant 0 : i32
    %dma_start3A_172 = tpu.memref_slice %arg8[%add3A_168, %dma_start3A_171] : memref<4096x768xf32, #tpu.memory_space<hbm>> -> memref<64x768xf32, #tpu.memory_space<hbm>>
    tpu.enqueue_dma source(%arg14 : memref<64x768xf32, #tpu.memory_space<vmem>>) target(%dma_start3A_172 : memref<64x768xf32, #tpu.memory_space<hbm>>) target_semaphore(%arg18 : memref<!tpu.dma_semaphore, #tpu.memory_space<semaphore_mem>>)
    %dma_start3A_173 = arith.constant 0 : i32
    %dma_start3A_174 = tpu.memref_slice %arg11[%add3A_168, %dma_start3A_173] : memref<4096x768xf32, #tpu.memory_space<hbm>> -> memref<64x768xf32, #tpu.memory_space<hbm>>
    %dma_start3A_175 = arith.constant 0 : i32
    %dma_start3A_176 = tpu.memref_slice %arg11[%add3A_168, %dma_start3A_175] : memref<4096x768xf32, #tpu.memory_space<hbm>> -> memref<64x768xf32, #tpu.memory_space<hbm>>
    tpu.enqueue_dma source(%arg14 : memref<64x768xf32, #tpu.memory_space<vmem>>) target(%dma_start3A_176 : memref<64x768xf32, #tpu.memory_space<hbm>>) target_semaphore(%arg18 : memref<!tpu.dma_semaphore, #tpu.memory_space<semaphore_mem>>)
    %dma_wait3A_177 = arith.constant 0 : i32
    %dma_wait3A_178 = tpu.memref_slice %arg8[%add3A_151, %dma_wait3A_177] : memref<4096x768xf32, #tpu.memory_space<hbm>> -> memref<64x768xf32, #tpu.memory_space<hbm>>
    %dma_wait3A_179 = arith.constant 0 : i32
    %dma_wait3A_180 = tpu.memref_slice %arg8[%add3A_151, %dma_wait3A_179] : memref<4096x768xf32, #tpu.memory_space<hbm>> -> memref<64x768xf32, #tpu.memory_space<hbm>>
    tpu.wait_dma2 semaphore(%arg17 : memref<!tpu.dma_semaphore, #tpu.memory_space<semaphore_mem>>) src(%arg13 : memref<64x768xf32, #tpu.memory_space<vmem>>) dst(%dma_wait3A_180 : memref<64x768xf32, #tpu.memory_space<hbm>>)
    %dma_wait3A_181 = arith.constant 0 : i32
    %dma_wait3A_182 = tpu.memref_slice %arg11[%add3A_151, %dma_wait3A_181] : memref<4096x768xf32, #tpu.memory_space<hbm>> -> memref<64x768xf32, #tpu.memory_space<hbm>>
    %dma_wait3A_183 = arith.constant 0 : i32
    %dma_wait3A_184 = tpu.memref_slice %arg11[%add3A_151, %dma_wait3A_183] : memref<4096x768xf32, #tpu.memory_space<hbm>> -> memref<64x768xf32, #tpu.memory_space<hbm>>
    tpu.wait_dma2 semaphore(%arg17 : memref<!tpu.dma_semaphore, #tpu.memory_space<semaphore_mem>>) src(%arg13 : memref<64x768xf32, #tpu.memory_space<vmem>>) dst(%dma_wait3A_184 : memref<64x768xf32, #tpu.memory_space<hbm>>)
    %dma_wait3A_185 = arith.constant 0 : i32
    %dma_wait3A_186 = tpu.memref_slice %arg8[%add3A_168, %dma_wait3A_185] : memref<4096x768xf32, #tpu.memory_space<hbm>> -> memref<64x768xf32, #tpu.memory_space<hbm>>
    %dma_wait3A_187 = arith.constant 0 : i32
    %dma_wait3A_188 = tpu.memref_slice %arg8[%add3A_168, %dma_wait3A_187] : memref<4096x768xf32, #tpu.memory_space<hbm>> -> memref<64x768xf32, #tpu.memory_space<hbm>>
    tpu.wait_dma2 semaphore(%arg18 : memref<!tpu.dma_semaphore, #tpu.memory_space<semaphore_mem>>) src(%arg14 : memref<64x768xf32, #tpu.memory_space<vmem>>) dst(%dma_wait3A_188 : memref<64x768xf32, #tpu.memory_space<hbm>>)
    %dma_wait3A_189 = arith.constant 0 : i32
    %dma_wait3A_190 = tpu.memref_slice %arg11[%add3A_168, %dma_wait3A_189] : memref<4096x768xf32, #tpu.memory_space<hbm>> -> memref<64x768xf32, #tpu.memory_space<hbm>>
    %dma_wait3A_191 = arith.constant 0 : i32
    %dma_wait3A_192 = tpu.memref_slice %arg11[%add3A_168, %dma_wait3A_191] : memref<4096x768xf32, #tpu.memory_space<hbm>> -> memref<64x768xf32, #tpu.memory_space<hbm>>
    tpu.wait_dma2 semaphore(%arg18 : memref<!tpu.dma_semaphore, #tpu.memory_space<semaphore_mem>>) src(%arg14 : memref<64x768xf32, #tpu.memory_space<vmem>>) dst(%dma_wait3A_192 : memref<64x768xf32, #tpu.memory_space<hbm>>)
    return
  }
}

</mosaic_0001>

<sc_bundles>
// kernel: _gather3.3.cloned.1.call-start
scs
__scs_entry_jumppad:
0x0: {  	(pc) =	sbr.rel $0x88, $3  }
0x1: {  	(tag) =	ssettag $0x0;
	lr =	simm.s32 $0x1  }
0x2: {  	[smem:$0x3F9D] =	sst lr;
	_ =	strace $0xD0000000  }
0x3: {  	_ = 	snop  }
0x4: {  	_ = 	snop  }
0x5: {  	_ = 	snop  }
0x6: {  	_ = 	snop  }
0x7: {  	_ = 	snop  }
__scs_overlays_trampoline_lowered:
0x8: {  	[smem:$0x3FAC] =	sst s0  }
0x9: {  	[smem:$0x3FAD] =	sst s1  }
0xa: {  	[smem:$0x3FAE] =	sst s2  }
0xb: {  	[smem:$0x3FAF] =	sst s3  }
0xc: {  	[smem:$0x3FB0] =	sst s4  }
0xd: {  	[smem:$0x3FB1] =	sst s5  }
0xe: {  	[smem:$0x3FB2] =	sst s6  }
0xf: {  	[smem:$0x3FB3] =	sst s7  }
0x10: {  	[smem:$0x3FB4] =	sst s8  }
0x11: {  	[smem:$0x3FB5] =	sst s9;
	s0 =	simm.s32 @!p0 $0x0  }
0x12: {  	s1 =	sld [smem:$0x3F9B];
	s0 =	simm.s32 @p0 $0x1  }
0x13: {  	[smem:$0x3FB6] =	sst s0;
	s0 =	simm.s32 @!p1 $0x0  }
0x14: {  	s2 =	sld [smem:$0x3F9A];
	s0 =	simm.s32 @p1 $0x1  }
0x15: {  	[smem:$0x3FB7] =	sst s0;
	s0 =	simm.s32 @!p2 $0x0  }
0x16: {  	s3 =	sld [smem:$0x3FDB];
	s0 =	simm.s32 @p2 $0x1  }
0x17: {  	s4 =	simm.s32 $0x1BF5;
	[smem:$0x3FB9] =	sst s0  }
0x18: {  	s0 =	sld [smem:$0x3F9C];
	_ =	swait.ge [sflag:s4], $0x0  }
0x19: {  	s7 =	sld [smem:$0x3F9D]  }
0x1a: {  	s8 =	sadd.s32 $0xFFFFE003, lr  }
0x1b: {  	s9 =	sadd.s32 $0xFFFFFEF7, lr;
	s5 =	simm.s32 $0xFFFFFFFF;
	p2 =	slt.u32 s8, $0xFFFFF086  }
0x1c: {  	p1 =	slt.u32 s9, $0xF7A;
	s5 =	simm.s32 @!p2 $0x0  }
0x1d: {  	s5 =	simm.s32 @p1 $0x1;
	p0 =	seq.s32 s7, s2  }
0x1e: {  	s7 =	smul.u32 @!p0 $0xF7A, s2;
	p2 =	seq.s32 @!p0 s5, $0x0  }
0x1f: {  	s9 =	smul.u32 $0xF7A, s1;
	s8 =	simm.s32 @!p0 $0x1BF5;
	p2 =	por !p2, p0  }
0x20: {  	[sflag:s8] =	ssyncset.s32 @!p0 $0xFFFFF086;
	s6 =	sadd.s32 @!p0 s3, s7;
	s7 =	simm.s32 @!p0 $0x108  }
0x21: {  	s3 =	sadd.s32 s3, s9;
	s6 =	sadd.s32 @!p0 $0x88, s6;
	s7 =	simm.s32 @p2 $0x1082  }
0x22: {  	[simem:s7], [sflag:s8] =	dma.local @!p0 [hbm:s6], $0xF7A  }
0x23: {  	s9 =	sor.u32 $0xD0000000, s2;
	s6 =	simm.s32 $0x108;
	_ =	swait.ge @!p0 [sflag:s8], $0x0  }
0x24: {  	s3 =	sadd.s32 $0x88, s3;
	s6 =	simm.s32 @!p1 $0x1082;
	[sflag:s4] =	ssyncset.s32 $0xFFFFF086  }
0x25: {  	[simem:s6], [sflag:s4] =	dma.local [hbm:s3], $0xF7A  }
0x26: {  	[smem:$0x3F9D] =	sst s1;
	(tag) =	ssettag s2;
	_ =	strace s9  }
0x27: {  	s1 =	sld [smem:$0x3FAD]  }
0x28: {  	s2 =	sld [smem:$0x3FAE]  }
0x29: {  	s4 =	sld [smem:$0x3FB0]  }
0x2a: {  	p0 =	seq.s32 s5, $0x0;
	s5 =	sld [smem:$0x3FB1]  }
0x2b: {  	s6 =	sld [smem:$0x3FB2]  }
0x2c: {  	s7 =	sld [smem:$0x3FB3]  }
0x2d: {  	s3 =	simm.s32 $0x108;
	s8 =	sld [smem:$0x3FB4]  }
0x2e: {  	s3 =	simm.s32 @!p0 $0x1082;
	s9 =	sld [smem:$0x3FB5]  }
0x2f: {  	lr =	sadd.s32 s0, s3;
	s0 =	sld [smem:$0x3FAC]  }
0x30: {  	s3 =	sld [smem:$0x3FAF]  }
0x31: {  	[smem:$0x3FB8] =	sst s10  }
0x32: {  	s10 =	sld [smem:$0x3FB6];
	_ =	sdelay $0x3  }
0x33: {  	p0 =	seq.s32 s10, $0x1;
	s10 =	sld [smem:$0x3FB8];
	_ =	sdelay $0x3  }
0x34: {  	[smem:$0x3FB8] =	sst s10  }
0x35: {  	s10 =	sld [smem:$0x3FB7];
	_ =	sdelay $0x3  }
0x36: {  	p1 =	seq.s32 s10, $0x1;
	s10 =	sld [smem:$0x3FB8];
	_ =	sdelay $0x3  }
0x37: {  	[smem:$0x3FB8] =	sst s10  }
0x38: {  	s10 =	sld [smem:$0x3FB9]  }
0x39: {  	_ = 	snop;
	(pc) =	sbr.ind lr, $3  }
0x3a: {  	_ = 	snop  }
0x3b: {  	_ = 	snop  }
0x3c: {  	p2 =	seq.s32 s10, $0x1;
	s10 =	sld [smem:$0x3FB8]  }
0x3d: {  	_ =	shalt  }
0x3e: {  	_ =	shalt  }
0x3f: {  	_ =	shalt  }
0x40: {  	_ =	shalt  }
0x41: {  	_ =	shalt  }
0x42: {  	_ =	shalt  }
0x43: {  	_ =	shalt  }
0x44: {  	_ =	shalt  }
0x45: {  	_ =	shalt  }
0x46: {  	_ =	shalt  }
0x47: {  	_ =	shalt  }
0x48: {  	_ =	shalt  }
0x49: {  	_ =	shalt  }
0x4a: {  	_ =	shalt  }
0x4b: {  	_ =	shalt  }
0x4c: {  	_ =	shalt  }
0x4d: {  	_ =	shalt  }
0x4e: {  	_ =	shalt  }
0x4f: {  	_ =	shalt  }
0x50: {  	_ =	shalt  }
0x51: {  	_ =	shalt  }
0x52: {  	_ =	shalt  }
0x53: {  	_ =	shalt  }
0x54: {  	_ =	shalt  }
0x55: {  	_ =	shalt  }
0x56: {  	_ =	shalt  }
0x57: {  	_ =	shalt  }
0x58: {  	_ =	shalt  }
0x59: {  	_ =	shalt  }
0x5a: {  	_ =	shalt  }
0x5b: {  	_ =	shalt  }
0x5c: {  	_ =	shalt  }
0x5d: {  	_ =	shalt  }
0x5e: {  	_ =	shalt  }
0x5f: {  	_ =	shalt  }
0x60: {  	_ =	shalt  }
0x61: {  	_ =	shalt  }
0x62: {  	_ =	shalt  }
0x63: {  	_ =	shalt  }
0x64: {  	_ =	shalt  }
0x65: {  	_ =	shalt  }
0x66: {  	_ =	shalt  }
0x67: {  	_ =	shalt  }
0x68: {  	_ =	shalt  }
0x69: {  	_ =	shalt  }
0x6a: {  	_ =	shalt  }
0x6b: {  	_ =	shalt  }
0x6c: {  	_ =	shalt  }
0x6d: {  	_ =	shalt  }
0x6e: {  	_ =	shalt  }
0x6f: {  	_ =	shalt  }
0x70: {  	_ =	shalt  }
0x71: {  	_ =	shalt  }
0x72: {  	_ =	shalt  }
0x73: {  	_ =	shalt  }
0x74: {  	_ =	shalt  }
0x75: {  	_ =	shalt  }
0x76: {  	_ =	shalt  }
0x77: {  	_ =	shalt  }
0x78: {  	_ =	shalt  }
0x79: {  	_ =	shalt  }
0x7a: {  	_ =	shalt  }
0x7b: {  	_ =	shalt  }
0x7c: {  	_ =	shalt  }
0x7d: {  	_ =	shalt  }
0x7e: {  	_ =	shalt  }
0x7f: {  	_ =	shalt  }
0x80: {  	_ =	shalt  }
0x81: {  	_ =	shalt  }
0x82: {  	_ =	shalt  }
0x83: {  	_ =	shalt  }
0x84: {  	_ =	shalt  }
0x85: {  	_ =	shalt  }
0x86: {  	_ =	shalt  }
0x87: {  	_ =	shalt  }
.Lfunc_end0:
.L_simem_size_0:
called_computation_lowered:
.L_overlay_start_0:
0x88: {  	s2 =	sld [smem:$0x3FD9]  }
0x89: {  	s3 =	sld [smem:$0x3FFE];
	_ =	sdelay $0x1  }
0x8a: {  	s1 =	srdreg.scid  }
0x8b: {  	s0 =	sand.u32 $0x1, s1  }
0x8c: {  	s15 =	sshll.u32 s0, $0xA;
	s2 =	sadd.s32 s3, s2  }
0x8d: {  	s2 =	sadd.s32 s2, s15  }
0x8e: {  	[smem:$0x3FC4] =	sst s2  }
0x8f: {  	_ = 	snop  }
0x90: {  	s2 =	sld [smem:$0x3FC9]  }
0x91: {  	s16 =	sld [smem:$0x3FD0]  }
0x92: {  	s4 =	sld [smem:$0x3FC8]  }
0x93: {  	s5 =	sld [smem:$0x3FC7]  }
0x94: {  	s7 =	simm.s32 $0xA;
	s8 =	simm.s32 $0x10;
	s6 =	sld [smem:$0x3FC6]  }
0x95: {  	[smem:s8], [sflag:s7] =	dma.local [hbm:s16], $0x1  }
0x96: {  	_ =	swait.eq [sflag:s7], $0x1  }
0x97: {  	s17 =	sld [smem:$0x10]  }
0x98: {  	s18 =	sld [smem:$0x11]  }
0x99: {  	s9 =	sld [smem:$0x12]  }
0x9a: {  	s10 =	sld [smem:$0x13];
	[sflag:s7] =	ssyncset.done $0x0  }
0x9b: {  	s11 =	sld [smem:$0x14];
	[sflag:s7] =	ssyncadd.s32 $0xFFFFFFFF  }
0x9c: {  	s19 =	sld [smem:$0x15];
	(tm) =	ssettm $0x1  }
0x9d: {  	s12 =	sld [smem:$0x3FFB];
	_ =	sdelay $0x3  }
0x9e: {  	_ =	strace s12  }
0x9f: {  	s12 =	sld [smem:$0x3FFC];
	_ =	sdelay $0x3  }
0xa0: {  	_ =	strace s12  }
0xa1: {  	s12 =	sld [smem:$0x3FFD];
	_ =	sdelay $0x3  }
0xa2: {  	_ =	strace s12  }
0xa3: {  	_ =	strace $0x8FFFFFFF  }
0xa4: {  	s20 =	sld [smem:$0x3FDB];
	_ =	sdelay $0x1  }
0xa5: {  	s13 =	simm.s32 $_scs_section_size  }
0xa6: {  	s14 =	simm.s32 $_size__tile_overlayer_lowered;
	s15 =	simm.s32 $_tile_overlayer_lowered  }
0xa7: {  	s23 =	simm.s32 $0x1BFF;
	s22 =	sshll.u32 s15, $0x1;
	s12 =	sadd.s32 s13, s20  }
0xa8: {  	s21 =	sshll.u32 s14, $0x1;
	s16 =	simm.s32 $0x0;
	s14 =	sadd.s32 s22, s12  }
0xa9: {  	[timem:s16], [sflag:s23] =	dma.local [hbm:s14], s21  }
0xaa: {  	_ =	swait.ge [sflag:s23], s21  }
0xab: {  	s13 =	ssub.s32 $0x0, s21;
	[sflag:s23] =	ssyncset.done $0x0  }
0xac: {  	[sflag:s23] =	ssyncadd.s32 s13;
	_ =	sdelay $0x1  }
0xad: {  	s24 =	simm.s32 $0x1B8B  }
0xae: {  	_ =	swait.ge [sflag:s24], $0x1  }
0xaf: {  	[sflag:s24] =	ssyncset.done $0x0  }
0xb0: {  	s25 =	simm.s32 $0x1B8E;
	[sflag:s24] =	ssyncadd.s32 $0xFFFFFFFF  }
0xb1: {  	s26 =	simm.s32 $execute0_lowered;
	[smem:$0x3FD2] =	sst s25  }
0xb2: {  	s13 =	sshll.u32 s26, $0x1;
	_ =	strace $0x80000046;
	[dreg:$0x1] =	wrdreg $0xFFFFFFFF  }
0xb3: {  	s28 =	simm.s32 $_size_execute0_lowered;
	s12 =	sadd.s32 s12, s13;
	[dreg:$0x0] =	wrdreg $0x0  }
0xb4: {  	s13 =	sshll.u32 s28, $0x1;
	[dreg:$0x2] =	wrdreg s12  }
0xb5: {  	[dreg:$0x3] =	wrdreg s13  }
0xb6: {  	[dreg:$0x4] =	wrdreg $0xC0  }
0xb7: {  	_ =	task [dreg:s16], $0x5FFFF  }
0xb8: {  	[dreg:$0x1] =	wrdreg $0xFFFFFFFF  }
0xb9: {  	[dreg:$0x0] =	wrdreg $0x60  }
0xba: {  	[dreg:$0x2] =	wrdreg s2  }
0xbb: {  	[dreg:$0x3] =	wrdreg s4  }
0xbc: {  	[dreg:$0x4] =	wrdreg s5  }
0xbd: {  	[dreg:$0x5] =	wrdreg s6  }
0xbe: {  	[dreg:$0x6] =	wrdreg s17  }
0xbf: {  	[dreg:$0x7] =	wrdreg s18  }
0xc0: {  	[dreg:$0x8] =	wrdreg s9  }
0xc1: {  	[dreg:$0x9] =	wrdreg s10  }
0xc2: {  	[dreg:$0xa] =	wrdreg s11  }
0xc3: {  	[dreg:$0xb] =	wrdreg s19  }
0xc4: {  	[dreg:$0xc] =	wrdreg $0x9  }
0xc5: {  	_ =	task.clear_ibuf [dreg:s16], $0xDFFFF;
	_ =	strace $0x90000046  }
0xc6: {  	s29 =	simm.s32 $0x9;
	_ =	strace $0x80000048  }
0xc7: {  	_ =	swait.ge [sflag:s29], $0x1  }
0xc8: {  	[sflag:s29] =	ssyncadd.s32 $0xFFFFFFFF  }
0xc9: {  	_ =	strace $0x90000048  }
0xca: {  	_ =	sfence  }
0xcb: {  	s30 =	sld [smem:$0x0];
	_ =	sdelay $0x2  }
0xcc: {  	s31 =	sshll.u32 s1, $0xD;
	s1 =	sshrl.u32 s1, $0x2  }
0xcd: {  	s3 =	sand.u32 $0x4000, s31;
	s1 =	sadd.s32 s1, s30  }
0xce: {  	s0 =	sor.u32 s3, s0;
	s1 =	sshll.u32 s1, $0x11  }
0xcf: {  	s0 =	sor.u32 s1, s0  }
0xd0: {  	s0 =	sadd.s32 $0x8F2B, s0  }
0xd1: {  	[sflag:s0] =	ssyncadd.remote.s32 $0x1  }
0xd2: {  	_ =	sfence.sel $0xFFFF  }
0xd3: {  	[dreg:$0x0] =	wrdreg $0xFFFFFFFF;
	(pc) =	sbr.abs _section_cstart, $3  }
0xd4: {  	[dreg:$0x1] =	wrdreg $0xFFFFFFFF  }
0xd5: {  	_ =	task.clear_ibuf [dreg:s16], $0x2FFFF;
	_ =	strace $0x9FFFFFFF  }
0xd6: {  	(tm) =	ssettm $0x7FFFFFFF  }
0xd7: {  	_ =	shalt  }
tec
execute0_lowered:
.L_overlay_start_1:
0x0: {  	(tag) =	ssettag $0x1  }
0x1: {  	s3 =	rddreg [dreg:$0x0]  }
0x2: {  	s0 =	rddreg [dreg:$0x1]  }
0x3: {  	s1 =	rddreg [dreg:$0x2]  }
0x4: {  	s2 =	rddreg [dreg:$0x3]  }
0x5: {  	s4 =	rddreg [dreg:$0x4]  }
0x6: {  	s6 =	rddreg [dreg:$0x5]  }
0x7: {  	s9 =	rddreg [dreg:$0x6]  }
0x8: {  	s7 =	rddreg [dreg:$0x7]  }
0x9: {  	s5 =	srdreg.scid;
	s8 =	rddreg [dreg:$0x8]  }
0xa: {  	s11 =	stileid.u32;
	s31 =	rddreg [dreg:$0x9];
	s28 =	simm.s32 $0x2  }
0xb: {  	s29 =	simm.s32 $0x4;
	s10 =	sand.u32 $0x1, s5;
	s30 =	sshll.u32 s11, $0x1  }
0xc: {  	s5 =	simm.s32 $0x0;
	s11 =	sadd.s32 $0x200, s2;
	s12 =	sor.u32 s10, s30  }
0xd: {  	[smem:$0x7FF] =	sst s5;
	s13 =	smul.u32 $0x3000, s12;
	s14 =	sshll.u32 s12, $0x5  }
0xe: {  	s20 =	ssub.s32 $0x2, s10;
	s10 =	sadd.s32 $0x100, s2;
	s3 =	sadd.s32 s3, s14  }
0xf: {  	_ =	strace $0x80000047;
	[dreg:$0xb] =	wrdreg s3;
	s15 =	sadd.s32 s4, s13  }
0x10: {  	s12 =	smul.u32 $0x18000, s12;
	s16 =	sadd.s32 s7, s13;
	[dreg:$0xc] =	wrdreg s15  }
0x11: {  	s22 =	sshrl.u32 s20, $0x1;
	s19 =	sadd.s32 s6, s13;
	[dreg:$0xd] =	wrdreg s16  }
0x12: {  	s14 =	simm.s32 $0x100;
	s21 =	sadd.s32 s8, s13;
	[dreg:$0x10] =	wrdreg s19  }
0x13: {  	s12 =	sshrl.u32 s12, $0x3;
	s25 =	sadd.s32 s9, s13;
	[dreg:$0x11] =	wrdreg s21  }
0x14: {  	s26 =	sadd.s32 s31, s13;
	s13 =	simm.s32 $0x1900;
	[dreg:$0x14] =	wrdreg s25  }
0x15: {  	s12 =	sadd.s32 $0x1800, s12;
	[dreg:$0x15] =	wrdreg s26;
	s19 =	simm.s32 $0xC100  }
0x16: {  	s25 =	simm.s32 $0x1;
	s26 =	simm.s32 $0x3;
	s15 =	simm.s32 $0x2100  }
0x17: {  	s16 =	simm.s32 $0x2900;
	s21 =	simm.s32 $0x4900;
	s17 =	sadd.s32 s4, s12  }
0x18: {  	s18 =	sadd.s32 s7, s12;
	s23 =	sadd.s32 s6, s12;
	[dreg:$0xe] =	wrdreg s17  }
0x19: {  	s4 =	ssub.s32 s20, s22;
	s24 =	sadd.s32 s8, s12;
	[dreg:$0xf] =	wrdreg s18  }
0x1a: {  	s6 =	sadd.s32 $0x100, s0;
	s7 =	sadd.s32 $0x200, s0;
	[dreg:$0x12] =	wrdreg s23  }
0x1b: {  	s8 =	sadd.s32 $0x100, s1;
	s30 =	sadd.s32 s9, s12;
	[dreg:$0x13] =	wrdreg s24  }
0x1c: {  	s9 =	sadd.s32 $0x200, s1;
	s31 =	sadd.s32 s31, s12;
	[dreg:$0x16] =	wrdreg s30  }
0x1d: {  	v2 =	vlaneseq.u32;
	s20 =	simm.s32 $0x4100;
	s22 =	simm.s32 $0x5100;
	[dreg:$0x17] =	wrdreg s31  }
0x1e: {  	vm0 =	vmmov $0xffff;
	v1 =	vshrl.u32 v2, $0x3;
	s12 =	smax.u32 s4, $0x1;
	s4 =	simm.s32 $0x900;
	s17 =	simm.s32 $0x3100  }
0x1f: {  	v0 =	vand.u32 $0x7, v2;
	v2 =	vor.u32 $0x8, v2;
	v1 =	vmul.u32 $0x8, v1;
	s18 =	simm.s32 $0x3900;
	s23 =	simm.s32 $0x5900;
	s24 =	simm.s32 $0x6100  }
.LBB2_1:
0x20: {  	s30 =	rddreg [dreg:$0xb];
	s3 =	simm.s32 $0x5  }
0x21: {  	[tilespmem:s5], [sflag:$0x5] =	stream.linear.gather [hbm4b:s30+s5], $0x100, $0x38;
	[tilespmem:$0x18100] =	vst v63  }
0x22: {  	_ =	swait.ge [sflag:s3], $0x100  }
0x23: {  	[sflag:s3] =	ssyncset.done $0x0  }
0x24: {  	[sflag:s3] =	ssyncadd.s32 $0xFFFFFF00  }
0x25: {  	v3 =	vld [tilespmem:$0x0];
	_ =	sdelay $0x4  }
0x26: {  	v4 =	vshrl.u32 v3, $0x3  }
0x27: {  	v4 =	vmul.u32 $0x30, v4  }
0x28: {  	v3 =	vand.u32 $0x7, v3  }
0x29: {  	v3 =	vor.u32 v3, v4  }
0x2a: {  	v4 =	vperm.xlane v3, v0;
	_ =	sdelay $0x1  }
0x2b: {  	v4 =	vadd.s32 v1, v4;
	_ =	sdelay $0x3  }
0x2c: {  	v3 =	vperm.xlane v3, v2  }
0x2d: {  	[tilespmem:s14], [sflag:$0x1] =	stream.indirect_vreg.gather [hbm4b:s0+s5], $0x80, v4, vm0, $0xb8;
	[tilespmem:$0x18100] =	vst v63  }
0x2e: {  	v3 =	vadd.s32 v1, v3  }
0x2f: {  	[tilespmem:s4], [sflag:$0x1] =	stream.indirect_vreg.gather [hbm4b:s6+s5], $0x80, v4, vm0, $0xb8;
	[tilespmem:$0x18100] =	vst v63  }
0x30: {  	s3 =	simm.s32 $0x1100  }
0x31: {  	[tilespmem:s3], [sflag:$0x1] =	stream.indirect_vreg.gather [hbm4b:s7+s5], $0x80, v4, vm0, $0xb8;
	[tilespmem:$0x18100] =	vst v63  }
0x32: {  	_ = 	snop  }
0x33: {  	[tilespmem:s13], [sflag:$0x1] =	stream.indirect_vreg.gather [hbm4b:s0+s5], $0x80, v3, vm0, $0xb8;
	[tilespmem:$0x18100] =	vst v63  }
0x34: {  	_ = 	snop  }
0x35: {  	[tilespmem:s15], [sflag:$0x1] =	stream.indirect_vreg.gather [hbm4b:s6+s5], $0x80, v3, vm0, $0xb8;
	[tilespmem:$0x18100] =	vst v63  }
0x36: {  	_ = 	snop  }
0x37: {  	[tilespmem:s16], [sflag:$0x1] =	stream.indirect_vreg.gather [hbm4b:s7+s5], $0x80, v3, vm0, $0xb8;
	[tilespmem:$0x18100] =	vst v63  }
0x38: {  	v3 =	vld [tilespmem:$0x10];
	_ =	sdelay $0x4  }
0x39: {  	v41 =	vshrl.u32 v3, $0x3  }
0x3a: {  	v4 =	vmul.u32 $0x30, v41  }
0x3b: {  	v3 =	vand.u32 $0x7, v3  }
0x3c: {  	v3 =	vor.u32 v3, v4  }
0x3d: {  	v4 =	vperm.xlane v3, v0;
	_ =	sdelay $0x1  }
0x3e: {  	v4 =	vadd.s32 v1, v4;
	_ =	sdelay $0x3  }
0x3f: {  	v3 =	vperm.xlane v3, v2  }
0x40: {  	[tilespmem:s17], [sflag:$0x1] =	stream.indirect_vreg.gather [hbm4b:s0+s5], $0x80, v4, vm0, $0xb8;
	[tilespmem:$0x18100] =	vst v63  }
0x41: {  	v3 =	vadd.s32 v1, v3  }
0x42: {  	[tilespmem:s18], [sflag:$0x1] =	stream.indirect_vreg.gather [hbm4b:s6+s5], $0x80, v4, vm0, $0xb8;
	[tilespmem:$0x18100] =	vst v63  }
0x43: {  	_ = 	snop  }
0x44: {  	[tilespmem:s20], [sflag:$0x1] =	stream.indirect_vreg.gather [hbm4b:s7+s5], $0x80, v4, vm0, $0xb8;
	[tilespmem:$0x18100] =	vst v63  }
0x45: {  	_ = 	snop  }
0x46: {  	[tilespmem:s21], [sflag:$0x1] =	stream.indirect_vreg.gather [hbm4b:s0+s5], $0x80, v3, vm0, $0xb8;
	[tilespmem:$0x18100] =	vst v63  }
0x47: {  	_ = 	snop  }
0x48: {  	[tilespmem:s22], [sflag:$0x1] =	stream.indirect_vreg.gather [hbm4b:s6+s5], $0x80, v3, vm0, $0xb8;
	[tilespmem:$0x18100] =	vst v63  }
0x49: {  	_ = 	snop  }
0x4a: {  	[tilespmem:s23], [sflag:$0x1] =	stream.indirect_vreg.gather [hbm4b:s7+s5], $0x80, v3, vm0, $0xb8;
	[tilespmem:$0x18100] =	vst v63  }
0x4b: {  	v3 =	vld [tilespmem:$0x20];
	_ =	sdelay $0x4  }
0x4c: {  	v42 =	vshrl.u32 v3, $0x3  }
0x4d: {  	v4 =	vmul.u32 $0x30, v42  }
0x4e: {  	v3 =	vand.u32 $0x7, v3  }
0x4f: {  	v3 =	vor.u32 v3, v4  }
0x50: {  	v4 =	vperm.xlane v3, v0;
	_ =	sdelay $0x1  }
0x51: {  	v4 =	vadd.s32 v1, v4;
	_ =	sdelay $0x3  }
0x52: {  	v3 =	vperm.xlane v3, v2  }
0x53: {  	[tilespmem:s24], [sflag:$0x1] =	stream.indirect_vreg.gather [hbm4b:s0+s5], $0x80, v4, vm0, $0xb8;
	[tilespmem:$0x18100] =	vst v63  }
0x54: {  	s31 =	simm.s32 $0x6900;
	v3 =	vadd.s32 v1, v3  }
0x55: {  	[tilespmem:s31], [sflag:$0x1] =	stream.indirect_vreg.gather [hbm4b:s6+s5], $0x80, v4, vm0, $0xb8;
	[tilespmem:$0x18100] =	vst v63  }
0x56: {  	s31 =	simm.s32 $0x7100  }
0x57: {  	[tilespmem:s31], [sflag:$0x1] =	stream.indirect_vreg.gather [hbm4b:s7+s5], $0x80, v4, vm0, $0xb8;
	[tilespmem:$0x18100] =	vst v63  }
0x58: {  	s31 =	simm.s32 $0x7900  }
0x59: {  	[tilespmem:s31], [sflag:$0x1] =	stream.indirect_vreg.gather [hbm4b:s0+s5], $0x80, v3, vm0, $0xb8;
	[tilespmem:$0x18100] =	vst v63  }
0x5a: {  	s31 =	simm.s32 $0x8100  }
0x5b: {  	[tilespmem:s31], [sflag:$0x1] =	stream.indirect_vreg.gather [hbm4b:s6+s5], $0x80, v3, vm0, $0xb8;
	[tilespmem:$0x18100] =	vst v63  }
0x5c: {  	s31 =	simm.s32 $0x8900  }
0x5d: {  	[tilespmem:s31], [sflag:$0x1] =	stream.indirect_vreg.gather [hbm4b:s7+s5], $0x80, v3, vm0, $0xb8;
	[tilespmem:$0x18100] =	vst v63  }
0x5e: {  	v3 =	vld [tilespmem:$0x30];
	_ =	sdelay $0x4  }
0x5f: {  	v43 =	vshrl.u32 v3, $0x3  }
0x60: {  	v4 =	vmul.u32 $0x30, v43  }
0x61: {  	v3 =	vand.u32 $0x7, v3  }
0x62: {  	v3 =	vor.u32 v3, v4  }
0x63: {  	v4 =	vperm.xlane v3, v0;
	_ =	sdelay $0x1  }
0x64: {  	v4 =	vadd.s32 v1, v4;
	_ =	sdelay $0x3  }
0x65: {  	s31 =	simm.s32 $0x9100;
	v3 =	vperm.xlane v3, v2  }
0x66: {  	[tilespmem:s31], [sflag:$0x1] =	stream.indirect_vreg.gather [hbm4b:s0+s5], $0x80, v4, vm0, $0xb8;
	[tilespmem:$0x18100] =	vst v63  }
0x67: {  	v3 =	vadd.s32 v1, v3;
	s31 =	simm.s32 $0x9900  }
0x68: {  	[tilespmem:s31], [sflag:$0x1] =	stream.indirect_vreg.gather [hbm4b:s6+s5], $0x80, v4, vm0, $0xb8;
	[tilespmem:$0x18100] =	vst v63  }
0x69: {  	s31 =	simm.s32 $0xA100  }
0x6a: {  	[tilespmem:s31], [sflag:$0x1] =	stream.indirect_vreg.gather [hbm4b:s7+s5], $0x80, v4, vm0, $0xb8;
	[tilespmem:$0x18100] =	vst v63  }
0x6b: {  	s31 =	simm.s32 $0xA900  }
0x6c: {  	[tilespmem:s31], [sflag:$0x1] =	stream.indirect_vreg.gather [hbm4b:s0+s5], $0x80, v3, vm0, $0xb8;
	[tilespmem:$0x18100] =	vst v63  }
0x6d: {  	s31 =	simm.s32 $0xB100  }
0x6e: {  	[tilespmem:s31], [sflag:$0x1] =	stream.indirect_vreg.gather [hbm4b:s6+s5], $0x80, v3, vm0, $0xb8;
	[tilespmem:$0x18100] =	vst v63  }
0x6f: {  	s31 =	simm.s32 $0xB900  }
0x70: {  	[tilespmem:s31], [sflag:$0x1] =	stream.indirect_vreg.gather [hbm4b:s7+s5], $0x80, v3, vm0, $0xb8;
	[tilespmem:$0x18100] =	vst v63  }
0x71: {  	v3 =	vld [tilespmem:$0x80];
	_ =	sdelay $0x4  }
0x72: {  	v44 =	vshrl.u32 v3, $0x3  }
0x73: {  	v4 =	vmul.u32 $0x30, v44  }
0x74: {  	v3 =	vand.u32 $0x7, v3  }
0x75: {  	v3 =	vor.u32 v3, v4  }
0x76: {  	v4 =	vperm.xlane v3, v0;
	_ =	sdelay $0x1  }
0x77: {  	v4 =	vadd.s32 v1, v4;
	_ =	sdelay $0x3  }
0x78: {  	v3 =	vperm.xlane v3, v2  }
0x79: {  	[tilespmem:s19], [sflag:$0x2] =	stream.indirect_vreg.gather [hbm4b:s0+s5], $0x80, v4, vm0, $0xb8;
	[tilespmem:$0x18100] =	vst v63  }
0x7a: {  	s31 =	simm.s32 $0xC900;
	v3 =	vadd.s32 v1, v3  }
0x7b: {  	[tilespmem:s31], [sflag:$0x2] =	stream.indirect_vreg.gather [hbm4b:s6+s5], $0x80, v4, vm0, $0xb8;
	[tilespmem:$0x18100] =	vst v63  }
0x7c: {  	s31 =	simm.s32 $0xD100  }
0x7d: {  	[tilespmem:s31], [sflag:$0x2] =	stream.indirect_vreg.gather [hbm4b:s7+s5], $0x80, v4, vm0, $0xb8;
	[tilespmem:$0x18100] =	vst v63  }
0x7e: {  	s31 =	simm.s32 $0xD900  }
0x7f: {  	[tilespmem:s31], [sflag:$0x2] =	stream.indirect_vreg.gather [hbm4b:s0+s5], $0x80, v3, vm0, $0xb8;
	[tilespmem:$0x18100] =	vst v63  }
0x80: {  	s31 =	simm.s32 $0xE100  }
0x81: {  	[tilespmem:s31], [sflag:$0x2] =	stream.indirect_vreg.gather [hbm4b:s6+s5], $0x80, v3, vm0, $0xb8;
	[tilespmem:$0x18100] =	vst v63  }
0x82: {  	s31 =	simm.s32 $0xE900  }
0x83: {  	[tilespmem:s31], [sflag:$0x2] =	stream.indirect_vreg.gather [hbm4b:s7+s5], $0x80, v3, vm0, $0xb8;
	[tilespmem:$0x18100] =	vst v63  }
0x84: {  	v3 =	vld [tilespmem:$0x90];
	_ =	sdelay $0x4  }
0x85: {  	v45 =	vshrl.u32 v3, $0x3  }
0x86: {  	v4 =	vmul.u32 $0x30, v45  }
0x87: {  	v3 =	vand.u32 $0x7, v3  }
0x88: {  	v3 =	vor.u32 v3, v4  }
0x89: {  	v4 =	vperm.xlane v3, v0;
	_ =	sdelay $0x1  }
0x8a: {  	v4 =	vadd.s32 v1, v4;
	_ =	sdelay $0x3  }
0x8b: {  	s31 =	simm.s32 $0xF100;
	v3 =	vperm.xlane v3, v2  }
0x8c: {  	[tilespmem:s31], [sflag:$0x2] =	stream.indirect_vreg.gather [hbm4b:s0+s5], $0x80, v4, vm0, $0xb8;
	[tilespmem:$0x18100] =	vst v63  }
0x8d: {  	v3 =	vadd.s32 v1, v3;
	s31 =	simm.s32 $0xF900  }
0x8e: {  	[tilespmem:s31], [sflag:$0x2] =	stream.indirect_vreg.gather [hbm4b:s6+s5], $0x80, v4, vm0, $0xb8;
	[tilespmem:$0x18100] =	vst v63  }
0x8f: {  	s31 =	simm.s32 $0x10100  }
0x90: {  	[tilespmem:s31], [sflag:$0x2] =	stream.indirect_vreg.gather [hbm4b:s7+s5], $0x80, v4, vm0, $0xb8;
	[tilespmem:$0x18100] =	vst v63  }
0x91: {  	s31 =	simm.s32 $0x10900  }
0x92: {  	[tilespmem:s31], [sflag:$0x2] =	stream.indirect_vreg.gather [hbm4b:s0+s5], $0x80, v3, vm0, $0xb8;
	[tilespmem:$0x18100] =	vst v63  }
0x93: {  	s31 =	simm.s32 $0x11100  }
0x94: {  	[tilespmem:s31], [sflag:$0x2] =	stream.indirect_vreg.gather [hbm4b:s6+s5], $0x80, v3, vm0, $0xb8;
	[tilespmem:$0x18100] =	vst v63  }
0x95: {  	s31 =	simm.s32 $0x11900  }
0x96: {  	[tilespmem:s31], [sflag:$0x2] =	stream.indirect_vreg.gather [hbm4b:s7+s5], $0x80, v3, vm0, $0xb8;
	[tilespmem:$0x18100] =	vst v63  }
0x97: {  	v3 =	vld [tilespmem:$0xA0];
	_ =	sdelay $0x4  }
0x98: {  	v46 =	vshrl.u32 v3, $0x3  }
0x99: {  	v4 =	vmul.u32 $0x30, v46  }
0x9a: {  	v3 =	vand.u32 $0x7, v3  }
0x9b: {  	v3 =	vor.u32 v3, v4  }
0x9c: {  	v4 =	vperm.xlane v3, v0;
	_ =	sdelay $0x1  }
0x9d: {  	v4 =	vadd.s32 v1, v4;
	_ =	sdelay $0x3  }
0x9e: {  	s31 =	simm.s32 $0x12100;
	v3 =	vperm.xlane v3, v2  }
0x9f: {  	[tilespmem:s31], [sflag:$0x2] =	stream.indirect_vreg.gather [hbm4b:s0+s5], $0x80, v4, vm0, $0xb8;
	[tilespmem:$0x18100] =	vst v63  }
0xa0: {  	v3 =	vadd.s32 v1, v3;
	s31 =	simm.s32 $0x12900  }
0xa1: {  	[tilespmem:s31], [sflag:$0x2] =	stream.indirect_vreg.gather [hbm4b:s6+s5], $0x80, v4, vm0, $0xb8;
	[tilespmem:$0x18100] =	vst v63  }
0xa2: {  	s31 =	simm.s32 $0x13100  }
0xa3: {  	[tilespmem:s31], [sflag:$0x2] =	stream.indirect_vreg.gather [hbm4b:s7+s5], $0x80, v4, vm0, $0xb8;
	[tilespmem:$0x18100] =	vst v63  }
0xa4: {  	s31 =	simm.s32 $0x13900  }
0xa5: {  	[tilespmem:s31], [sflag:$0x2] =	stream.indirect_vreg.gather [hbm4b:s0+s5], $0x80, v3, vm0, $0xb8;
	[tilespmem:$0x18100] =	vst v63  }
0xa6: {  	s31 =	simm.s32 $0x14100  }
0xa7: {  	[tilespmem:s31], [sflag:$0x2] =	stream.indirect_vreg.gather [hbm4b:s6+s5], $0x80, v3, vm0, $0xb8;
	[tilespmem:$0x18100] =	vst v63  }
0xa8: {  	s31 =	simm.s32 $0x14900  }
0xa9: {  	[tilespmem:s31], [sflag:$0x2] =	stream.indirect_vreg.gather [hbm4b:s7+s5], $0x80, v3, vm0, $0xb8;
	[tilespmem:$0x18100] =	vst v63  }
0xaa: {  	v3 =	vld [tilespmem:$0xB0];
	_ =	sdelay $0x4  }
0xab: {  	v47 =	vshrl.u32 v3, $0x3  }
0xac: {  	v4 =	vmul.u32 $0x30, v47  }
0xad: {  	v3 =	vand.u32 $0x7, v3  }
0xae: {  	v3 =	vor.u32 v3, v4  }
0xaf: {  	v4 =	vperm.xlane v3, v0;
	_ =	sdelay $0x1  }
0xb0: {  	v4 =	vadd.s32 v1, v4;
	_ =	sdelay $0x3  }
0xb1: {  	s31 =	simm.s32 $0x15100;
	v3 =	vperm.xlane v3, v2  }
0xb2: {  	[tilespmem:s31], [sflag:$0x2] =	stream.indirect_vreg.gather [hbm4b:s0+s5], $0x80, v4, vm0, $0xb8;
	[tilespmem:$0x18100] =	vst v63  }
0xb3: {  	v3 =	vadd.s32 v1, v3;
	s31 =	simm.s32 $0x15900  }
0xb4: {  	[tilespmem:s31], [sflag:$0x2] =	stream.indirect_vreg.gather [hbm4b:s6+s5], $0x80, v4, vm0, $0xb8;
	[tilespmem:$0x18100] =	vst v63  }
0xb5: {  	s31 =	simm.s32 $0x16100  }
0xb6: {  	[tilespmem:s31], [sflag:$0x2] =	stream.indirect_vreg.gather [hbm4b:s7+s5], $0x80, v4, vm0, $0xb8;
	[tilespmem:$0x18100] =	vst v63  }
0xb7: {  	s31 =	simm.s32 $0x16900  }
0xb8: {  	[tilespmem:s31], [sflag:$0x2] =	stream.indirect_vreg.gather [hbm4b:s0+s5], $0x80, v3, vm0, $0xb8;
	[tilespmem:$0x18100] =	vst v63  }
0xb9: {  	s31 =	simm.s32 $0x17100  }
0xba: {  	[tilespmem:s31], [sflag:$0x2] =	stream.indirect_vreg.gather [hbm4b:s6+s5], $0x80, v3, vm0, $0xb8;
	[tilespmem:$0x18100] =	vst v63  }
0xbb: {  	s31 =	simm.s32 $0x17900  }
0xbc: {  	[tilespmem:s31], [sflag:$0x2] =	stream.indirect_vreg.gather [hbm4b:s7+s5], $0x80, v3, vm0, $0xb8;
	[tilespmem:$0x18100] =	vst v63  }
0xbd: {  	_ =	swait.ge [sflag:s25], $0xC000  }
0xbe: {  	[sflag:s25] =	ssyncset.done $0x0  }
0xbf: {  	s30 =	rddreg [dreg:$0xc];
	[sflag:s25] =	ssyncadd.s32 $0xFFFF4000  }
0xc0: {  	[hbm4b:s30+s5] =	stream.linear.scatter [tilespmem:s14], [sflag:$0x3], $0xC000, $0x38;
	[tilespmem:$0x18100] =	vst v63  }
0xc1: {  	s31 =	rddreg [dreg:$0xd]  }
0xc2: {  	[hbm4b:s31+s5] =	stream.linear.scatter [tilespmem:s14], [sflag:$0x3], $0xC000, $0x38;
	[tilespmem:$0x18100] =	vst v63  }
0xc3: {  	_ =	swait.ge [sflag:s26], $0xC000  }
0xc4: {  	[sflag:s26] =	ssyncset.done $0x0  }
0xc5: {  	[sflag:s26] =	ssyncadd.s32 $0xFFFF4000  }
0xc6: {  	_ =	swait.ge [sflag:s26], $0xC000  }
0xc7: {  	[sflag:s26] =	ssyncset.done $0x0  }
0xc8: {  	[sflag:s26] =	ssyncadd.s32 $0xFFFF4000  }
0xc9: {  	v3 =	vld [tilespmem:$0x0];
	_ =	sdelay $0x4  }
0xca: {  	v48 =	vshrl.u32 v3, $0x3  }
0xcb: {  	v4 =	vmul.u32 $0x30, v48  }
0xcc: {  	v3 =	vand.u32 $0x7, v3  }
0xcd: {  	v3 =	vor.u32 v3, v4  }
0xce: {  	v4 =	vperm.xlane v3, v0;
	_ =	sdelay $0x1  }
0xcf: {  	v4 =	vadd.s32 v1, v4;
	_ =	sdelay $0x3  }
0xd0: {  	v3 =	vperm.xlane v3, v2  }
0xd1: {  	[tilespmem:s14], [sflag:$0x1] =	stream.indirect_vreg.gather [hbm4b:s1+s5], $0x80, v4, vm0, $0xb8;
	[tilespmem:$0x18100] =	vst v63  }
0xd2: {  	v3 =	vadd.s32 v1, v3  }
0xd3: {  	[tilespmem:s4], [sflag:$0x1] =	stream.indirect_vreg.gather [hbm4b:s8+s5], $0x80, v4, vm0, $0xb8;
	[tilespmem:$0x18100] =	vst v63  }
0xd4: {  	_ = 	snop  }
0xd5: {  	[tilespmem:s3], [sflag:$0x1] =	stream.indirect_vreg.gather [hbm4b:s9+s5], $0x80, v4, vm0, $0xb8;
	[tilespmem:$0x18100] =	vst v63  }
0xd6: {  	_ = 	snop  }
0xd7: {  	[tilespmem:s13], [sflag:$0x1] =	stream.indirect_vreg.gather [hbm4b:s1+s5], $0x80, v3, vm0, $0xb8;
	[tilespmem:$0x18100] =	vst v63  }
0xd8: {  	_ = 	snop  }
0xd9: {  	[tilespmem:s15], [sflag:$0x1] =	stream.indirect_vreg.gather [hbm4b:s8+s5], $0x80, v3, vm0, $0xb8;
	[tilespmem:$0x18100] =	vst v63  }
0xda: {  	_ = 	snop  }
0xdb: {  	[tilespmem:s16], [sflag:$0x1] =	stream.indirect_vreg.gather [hbm4b:s9+s5], $0x80, v3, vm0, $0xb8;
	[tilespmem:$0x18100] =	vst v63  }
0xdc: {  	v3 =	vld [tilespmem:$0x10];
	_ =	sdelay $0x4  }
0xdd: {  	v49 =	vshrl.u32 v3, $0x3  }
0xde: {  	v4 =	vmul.u32 $0x30, v49  }
0xdf: {  	v3 =	vand.u32 $0x7, v3  }
0xe0: {  	v3 =	vor.u32 v3, v4  }
0xe1: {  	v4 =	vperm.xlane v3, v0;
	_ =	sdelay $0x1  }
0xe2: {  	v4 =	vadd.s32 v1, v4;
	_ =	sdelay $0x3  }
0xe3: {  	v3 =	vperm.xlane v3, v2  }
0xe4: {  	[tilespmem:s17], [sflag:$0x1] =	stream.indirect_vreg.gather [hbm4b:s1+s5], $0x80, v4, vm0, $0xb8;
	[tilespmem:$0x18100] =	vst v63  }
0xe5: {  	v3 =	vadd.s32 v1, v3  }
0xe6: {  	[tilespmem:s18], [sflag:$0x1] =	stream.indirect_vreg.gather [hbm4b:s8+s5], $0x80, v4, vm0, $0xb8;
	[tilespmem:$0x18100] =	vst v63  }
0xe7: {  	_ = 	snop  }
0xe8: {  	[tilespmem:s20], [sflag:$0x1] =	stream.indirect_vreg.gather [hbm4b:s9+s5], $0x80, v4, vm0, $0xb8;
	[tilespmem:$0x18100] =	vst v63  }
0xe9: {  	_ = 	snop  }
0xea: {  	[tilespmem:s21], [sflag:$0x1] =	stream.indirect_vreg.gather [hbm4b:s1+s5], $0x80, v3, vm0, $0xb8;
	[tilespmem:$0x18100] =	vst v63  }
0xeb: {  	_ = 	snop  }
0xec: {  	[tilespmem:s22], [sflag:$0x1] =	stream.indirect_vreg.gather [hbm4b:s8+s5], $0x80, v3, vm0, $0xb8;
	[tilespmem:$0x18100] =	vst v63  }
0xed: {  	_ = 	snop  }
0xee: {  	[tilespmem:s23], [sflag:$0x1] =	stream.indirect_vreg.gather [hbm4b:s9+s5], $0x80, v3, vm0, $0xb8;
	[tilespmem:$0x18100] =	vst v63  }
0xef: {  	v3 =	vld [tilespmem:$0x20];
	_ =	sdelay $0x4  }
0xf0: {  	v50 =	vshrl.u32 v3, $0x3  }
0xf1: {  	v4 =	vmul.u32 $0x30, v50  }
0xf2: {  	v3 =	vand.u32 $0x7, v3  }
0xf3: {  	v3 =	vor.u32 v3, v4  }
0xf4: {  	v4 =	vperm.xlane v3, v0;
	_ =	sdelay $0x1  }
0xf5: {  	v4 =	vadd.s32 v1, v4;
	_ =	sdelay $0x3  }
0xf6: {  	v3 =	vperm.xlane v3, v2  }
0xf7: {  	[tilespmem:s24], [sflag:$0x1] =	stream.indirect_vreg.gather [hbm4b:s1+s5], $0x80, v4, vm0, $0xb8;
	[tilespmem:$0x18100] =	vst v63  }
0xf8: {  	s31 =	simm.s32 $0x6900;
	v3 =	vadd.s32 v1, v3  }
0xf9: {  	[tilespmem:s31], [sflag:$0x1] =	stream.indirect_vreg.gather [hbm4b:s8+s5], $0x80, v4, vm0, $0xb8;
	[tilespmem:$0x18100] =	vst v63  }
0xfa: {  	s31 =	simm.s32 $0x7100  }
0xfb: {  	[tilespmem:s31], [sflag:$0x1] =	stream.indirect_vreg.gather [hbm4b:s9+s5], $0x80, v4, vm0, $0xb8;
	[tilespmem:$0x18100] =	vst v63  }
0xfc: {  	s31 =	simm.s32 $0x7900  }
0xfd: {  	[tilespmem:s31], [sflag:$0x1] =	stream.indirect_vreg.gather [hbm4b:s1+s5], $0x80, v3, vm0, $0xb8;
	[tilespmem:$0x18100] =	vst v63  }
0xfe: {  	s31 =	simm.s32 $0x8100  }
0xff: {  	[tilespmem:s31], [sflag:$0x1] =	stream.indirect_vreg.gather [hbm4b:s8+s5], $0x80, v3, vm0, $0xb8;
	[tilespmem:$0x18100] =	vst v63  }
0x100: {  	s31 =	simm.s32 $0x8900  }
0x101: {  	[tilespmem:s31], [sflag:$0x1] =	stream.indirect_vreg.gather [hbm4b:s9+s5], $0x80, v3, vm0, $0xb8;
	[tilespmem:$0x18100] =	vst v63  }
0x102: {  	v3 =	vld [tilespmem:$0x30];
	_ =	sdelay $0x4  }
0x103: {  	v51 =	vshrl.u32 v3, $0x3  }
0x104: {  	v4 =	vmul.u32 $0x30, v51  }
0x105: {  	v3 =	vand.u32 $0x7, v3  }
0x106: {  	v3 =	vor.u32 v3, v4  }
0x107: {  	v4 =	vperm.xlane v3, v0;
	_ =	sdelay $0x1  }
0x108: {  	v4 =	vadd.s32 v1, v4;
	_ =	sdelay $0x3  }
0x109: {  	s31 =	simm.s32 $0x9100;
	v3 =	vperm.xlane v3, v2  }
0x10a: {  	[tilespmem:s31], [sflag:$0x1] =	stream.indirect_vreg.gather [hbm4b:s1+s5], $0x80, v4, vm0, $0xb8;
	[tilespmem:$0x18100] =	vst v63  }
0x10b: {  	v3 =	vadd.s32 v1, v3;
	s31 =	simm.s32 $0x9900  }
0x10c: {  	[tilespmem:s31], [sflag:$0x1] =	stream.indirect_vreg.gather [hbm4b:s8+s5], $0x80, v4, vm0, $0xb8;
	[tilespmem:$0x18100] =	vst v63  }
0x10d: {  	s31 =	simm.s32 $0xA100  }
0x10e: {  	[tilespmem:s31], [sflag:$0x1] =	stream.indirect_vreg.gather [hbm4b:s9+s5], $0x80, v4, vm0, $0xb8;
	[tilespmem:$0x18100] =	vst v63  }
0x10f: {  	s31 =	simm.s32 $0xA900  }
0x110: {  	[tilespmem:s31], [sflag:$0x1] =	stream.indirect_vreg.gather [hbm4b:s1+s5], $0x80, v3, vm0, $0xb8;
	[tilespmem:$0x18100] =	vst v63  }
0x111: {  	s31 =	simm.s32 $0xB100  }
0x112: {  	[tilespmem:s31], [sflag:$0x1] =	stream.indirect_vreg.gather [hbm4b:s8+s5], $0x80, v3, vm0, $0xb8;
	[tilespmem:$0x18100] =	vst v63  }
0x113: {  	s31 =	simm.s32 $0xB900  }
0x114: {  	[tilespmem:s31], [sflag:$0x1] =	stream.indirect_vreg.gather [hbm4b:s9+s5], $0x80, v3, vm0, $0xb8;
	[tilespmem:$0x18100] =	vst v63  }
0x115: {  	_ =	swait.ge [sflag:s28], $0xC000  }
0x116: {  	[sflag:s28] =	ssyncset.done $0x0  }
0x117: {  	s30 =	rddreg [dreg:$0xe];
	[sflag:s28] =	ssyncadd.s32 $0xFFFF4000  }
0x118: {  	[hbm4b:s30+s5] =	stream.linear.scatter [tilespmem:s19], [sflag:$0x4], $0xC000, $0x38;
	[tilespmem:$0x18100] =	vst v63  }
0x119: {  	s31 =	rddreg [dreg:$0xf]  }
0x11a: {  	[hbm4b:s31+s5] =	stream.linear.scatter [tilespmem:s19], [sflag:$0x4], $0xC000, $0x38;
	[tilespmem:$0x18100] =	vst v63  }
0x11b: {  	_ =	swait.ge [sflag:s29], $0xC000  }
0x11c: {  	[sflag:s29] =	ssyncset.done $0x0  }
0x11d: {  	[sflag:s29] =	ssyncadd.s32 $0xFFFF4000  }
0x11e: {  	_ =	swait.ge [sflag:s29], $0xC000  }
0x11f: {  	[sflag:s29] =	ssyncset.done $0x0  }
0x120: {  	[sflag:s29] =	ssyncadd.s32 $0xFFFF4000  }
0x121: {  	v3 =	vld [tilespmem:$0x80];
	_ =	sdelay $0x4  }
0x122: {  	v52 =	vshrl.u32 v3, $0x3  }
0x123: {  	v4 =	vmul.u32 $0x30, v52  }
0x124: {  	v3 =	vand.u32 $0x7, v3  }
0x125: {  	v3 =	vor.u32 v3, v4  }
0x126: {  	v4 =	vperm.xlane v3, v0;
	_ =	sdelay $0x1  }
0x127: {  	v4 =	vadd.s32 v1, v4;
	_ =	sdelay $0x3  }
0x128: {  	v3 =	vperm.xlane v3, v2  }
0x129: {  	[tilespmem:s19], [sflag:$0x2] =	stream.indirect_vreg.gather [hbm4b:s1+s5], $0x80, v4, vm0, $0xb8;
	[tilespmem:$0x18100] =	vst v63  }
0x12a: {  	s31 =	simm.s32 $0xC900;
	v3 =	vadd.s32 v1, v3  }
0x12b: {  	[tilespmem:s31], [sflag:$0x2] =	stream.indirect_vreg.gather [hbm4b:s8+s5], $0x80, v4, vm0, $0xb8;
	[tilespmem:$0x18100] =	vst v63  }
0x12c: {  	s31 =	simm.s32 $0xD100  }
0x12d: {  	[tilespmem:s31], [sflag:$0x2] =	stream.indirect_vreg.gather [hbm4b:s9+s5], $0x80, v4, vm0, $0xb8;
	[tilespmem:$0x18100] =	vst v63  }
0x12e: {  	s31 =	simm.s32 $0xD900  }
0x12f: {  	[tilespmem:s31], [sflag:$0x2] =	stream.indirect_vreg.gather [hbm4b:s1+s5], $0x80, v3, vm0, $0xb8;
	[tilespmem:$0x18100] =	vst v63  }
0x130: {  	s31 =	simm.s32 $0xE100  }
0x131: {  	[tilespmem:s31], [sflag:$0x2] =	stream.indirect_vreg.gather [hbm4b:s8+s5], $0x80, v3, vm0, $0xb8;
	[tilespmem:$0x18100] =	vst v63  }
0x132: {  	s31 =	simm.s32 $0xE900  }
0x133: {  	[tilespmem:s31], [sflag:$0x2] =	stream.indirect_vreg.gather [hbm4b:s9+s5], $0x80, v3, vm0, $0xb8;
	[tilespmem:$0x18100] =	vst v63  }
0x134: {  	v3 =	vld [tilespmem:$0x90];
	_ =	sdelay $0x4  }
0x135: {  	v53 =	vshrl.u32 v3, $0x3  }
0x136: {  	v4 =	vmul.u32 $0x30, v53  }
0x137: {  	v3 =	vand.u32 $0x7, v3  }
0x138: {  	v3 =	vor.u32 v3, v4  }
0x139: {  	v4 =	vperm.xlane v3, v0;
	_ =	sdelay $0x1  }
0x13a: {  	v4 =	vadd.s32 v1, v4;
	_ =	sdelay $0x3  }
0x13b: {  	s31 =	simm.s32 $0xF100;
	v3 =	vperm.xlane v3, v2  }
0x13c: {  	[tilespmem:s31], [sflag:$0x2] =	stream.indirect_vreg.gather [hbm4b:s1+s5], $0x80, v4, vm0, $0xb8;
	[tilespmem:$0x18100] =	vst v63  }
0x13d: {  	v3 =	vadd.s32 v1, v3;
	s31 =	simm.s32 $0xF900  }
0x13e: {  	[tilespmem:s31], [sflag:$0x2] =	stream.indirect_vreg.gather [hbm4b:s8+s5], $0x80, v4, vm0, $0xb8;
	[tilespmem:$0x18100] =	vst v63  }
0x13f: {  	s31 =	simm.s32 $0x10100  }
0x140: {  	[tilespmem:s31], [sflag:$0x2] =	stream.indirect_vreg.gather [hbm4b:s9+s5], $0x80, v4, vm0, $0xb8;
	[tilespmem:$0x18100] =	vst v63  }
0x141: {  	s31 =	simm.s32 $0x10900  }
0x142: {  	[tilespmem:s31], [sflag:$0x2] =	stream.indirect_vreg.gather [hbm4b:s1+s5], $0x80, v3, vm0, $0xb8;
	[tilespmem:$0x18100] =	vst v63  }
0x143: {  	s31 =	simm.s32 $0x11100  }
0x144: {  	[tilespmem:s31], [sflag:$0x2] =	stream.indirect_vreg.gather [hbm4b:s8+s5], $0x80, v3, vm0, $0xb8;
	[tilespmem:$0x18100] =	vst v63  }
0x145: {  	s31 =	simm.s32 $0x11900  }
0x146: {  	[tilespmem:s31], [sflag:$0x2] =	stream.indirect_vreg.gather [hbm4b:s9+s5], $0x80, v3, vm0, $0xb8;
	[tilespmem:$0x18100] =	vst v63  }
0x147: {  	v3 =	vld [tilespmem:$0xA0];
	_ =	sdelay $0x4  }
0x148: {  	v54 =	vshrl.u32 v3, $0x3  }
0x149: {  	v4 =	vmul.u32 $0x30, v54  }
0x14a: {  	v3 =	vand.u32 $0x7, v3  }
0x14b: {  	v3 =	vor.u32 v3, v4  }
0x14c: {  	v4 =	vperm.xlane v3, v0;
	_ =	sdelay $0x1  }
0x14d: {  	v4 =	vadd.s32 v1, v4;
	_ =	sdelay $0x3  }
0x14e: {  	s31 =	simm.s32 $0x12100;
	v3 =	vperm.xlane v3, v2  }
0x14f: {  	[tilespmem:s31], [sflag:$0x2] =	stream.indirect_vreg.gather [hbm4b:s1+s5], $0x80, v4, vm0, $0xb8;
	[tilespmem:$0x18100] =	vst v63  }
0x150: {  	v3 =	vadd.s32 v1, v3;
	s31 =	simm.s32 $0x12900  }
0x151: {  	[tilespmem:s31], [sflag:$0x2] =	stream.indirect_vreg.gather [hbm4b:s8+s5], $0x80, v4, vm0, $0xb8;
	[tilespmem:$0x18100] =	vst v63  }
0x152: {  	s31 =	simm.s32 $0x13100  }
0x153: {  	[tilespmem:s31], [sflag:$0x2] =	stream.indirect_vreg.gather [hbm4b:s9+s5], $0x80, v4, vm0, $0xb8;
	[tilespmem:$0x18100] =	vst v63  }
0x154: {  	s31 =	simm.s32 $0x13900  }
0x155: {  	[tilespmem:s31], [sflag:$0x2] =	stream.indirect_vreg.gather [hbm4b:s1+s5], $0x80, v3, vm0, $0xb8;
	[tilespmem:$0x18100] =	vst v63  }
0x156: {  	s31 =	simm.s32 $0x14100  }
0x157: {  	[tilespmem:s31], [sflag:$0x2] =	stream.indirect_vreg.gather [hbm4b:s8+s5], $0x80, v3, vm0, $0xb8;
	[tilespmem:$0x18100] =	vst v63  }
0x158: {  	s31 =	simm.s32 $0x14900  }
0x159: {  	[tilespmem:s31], [sflag:$0x2] =	stream.indirect_vreg.gather [hbm4b:s9+s5], $0x80, v3, vm0, $0xb8;
	[tilespmem:$0x18100] =	vst v63  }
0x15a: {  	v3 =	vld [tilespmem:$0xB0];
	_ =	sdelay $0x4  }
0x15b: {  	v55 =	vshrl.u32 v3, $0x3  }
0x15c: {  	v4 =	vmul.u32 $0x30, v55  }
0x15d: {  	v3 =	vand.u32 $0x7, v3  }
0x15e: {  	v3 =	vor.u32 v3, v4  }
0x15f: {  	v4 =	vperm.xlane v3, v0;
	_ =	sdelay $0x1  }
0x160: {  	v4 =	vadd.s32 v1, v4;
	_ =	sdelay $0x3  }
0x161: {  	s31 =	simm.s32 $0x15100;
	v3 =	vperm.xlane v3, v2  }
0x162: {  	[tilespmem:s31], [sflag:$0x2] =	stream.indirect_vreg.gather [hbm4b:s1+s5], $0x80, v4, vm0, $0xb8;
	[tilespmem:$0x18100] =	vst v63  }
0x163: {  	v3 =	vadd.s32 v1, v3;
	s31 =	simm.s32 $0x15900  }
0x164: {  	[tilespmem:s31], [sflag:$0x2] =	stream.indirect_vreg.gather [hbm4b:s8+s5], $0x80, v4, vm0, $0xb8;
	[tilespmem:$0x18100] =	vst v63  }
0x165: {  	s31 =	simm.s32 $0x16100  }
0x166: {  	[tilespmem:s31], [sflag:$0x2] =	stream.indirect_vreg.gather [hbm4b:s9+s5], $0x80, v4, vm0, $0xb8;
	[tilespmem:$0x18100] =	vst v63  }
0x167: {  	s31 =	simm.s32 $0x16900  }
0x168: {  	[tilespmem:s31], [sflag:$0x2] =	stream.indirect_vreg.gather [hbm4b:s1+s5], $0x80, v3, vm0, $0xb8;
	[tilespmem:$0x18100] =	vst v63  }
0x169: {  	s31 =	simm.s32 $0x17100  }
0x16a: {  	[tilespmem:s31], [sflag:$0x2] =	stream.indirect_vreg.gather [hbm4b:s8+s5], $0x80, v3, vm0, $0xb8;
	[tilespmem:$0x18100] =	vst v63  }
0x16b: {  	s31 =	simm.s32 $0x17900  }
0x16c: {  	[tilespmem:s31], [sflag:$0x2] =	stream.indirect_vreg.gather [hbm4b:s9+s5], $0x80, v3, vm0, $0xb8;
	[tilespmem:$0x18100] =	vst v63  }
0x16d: {  	_ =	swait.ge [sflag:s25], $0xC000  }
0x16e: {  	[sflag:s25] =	ssyncset.done $0x0  }
0x16f: {  	s30 =	rddreg [dreg:$0x10];
	[sflag:s25] =	ssyncadd.s32 $0xFFFF4000  }
0x170: {  	[hbm4b:s30+s5] =	stream.linear.scatter [tilespmem:s14], [sflag:$0x3], $0xC000, $0x38;
	[tilespmem:$0x18100] =	vst v63  }
0x171: {  	s31 =	rddreg [dreg:$0x11]  }
0x172: {  	[hbm4b:s31+s5] =	stream.linear.scatter [tilespmem:s14], [sflag:$0x3], $0xC000, $0x38;
	[tilespmem:$0x18100] =	vst v63  }
0x173: {  	_ =	swait.ge [sflag:s26], $0xC000  }
0x174: {  	[sflag:s26] =	ssyncset.done $0x0  }
0x175: {  	[sflag:s26] =	ssyncadd.s32 $0xFFFF4000  }
0x176: {  	_ =	swait.ge [sflag:s26], $0xC000  }
0x177: {  	[sflag:s26] =	ssyncset.done $0x0  }
0x178: {  	[sflag:s26] =	ssyncadd.s32 $0xFFFF4000  }
0x179: {  	v3 =	vld [tilespmem:$0x0];
	_ =	sdelay $0x4  }
0x17a: {  	v56 =	vshrl.u32 v3, $0x3  }
0x17b: {  	v4 =	vmul.u32 $0x30, v56  }
0x17c: {  	v3 =	vand.u32 $0x7, v3  }
0x17d: {  	v3 =	vor.u32 v3, v4  }
0x17e: {  	v4 =	vperm.xlane v3, v0;
	_ =	sdelay $0x1  }
0x17f: {  	v4 =	vadd.s32 v1, v4;
	_ =	sdelay $0x3  }
0x180: {  	v3 =	vperm.xlane v3, v2  }
0x181: {  	[tilespmem:s14], [sflag:$0x1] =	stream.indirect_vreg.gather [hbm4b:s2+s5], $0x80, v4, vm0, $0xb8;
	[tilespmem:$0x18100] =	vst v63  }
0x182: {  	v3 =	vadd.s32 v1, v3  }
0x183: {  	[tilespmem:s4], [sflag:$0x1] =	stream.indirect_vreg.gather [hbm4b:s10+s5], $0x80, v4, vm0, $0xb8;
	[tilespmem:$0x18100] =	vst v63  }
0x184: {  	_ = 	snop  }
0x185: {  	[tilespmem:s3], [sflag:$0x1] =	stream.indirect_vreg.gather [hbm4b:s11+s5], $0x80, v4, vm0, $0xb8;
	[tilespmem:$0x18100] =	vst v63  }
0x186: {  	_ = 	snop  }
0x187: {  	[tilespmem:s13], [sflag:$0x1] =	stream.indirect_vreg.gather [hbm4b:s2+s5], $0x80, v3, vm0, $0xb8;
	[tilespmem:$0x18100] =	vst v63  }
0x188: {  	_ = 	snop  }
0x189: {  	[tilespmem:s15], [sflag:$0x1] =	stream.indirect_vreg.gather [hbm4b:s10+s5], $0x80, v3, vm0, $0xb8;
	[tilespmem:$0x18100] =	vst v63  }
0x18a: {  	_ = 	snop  }
0x18b: {  	[tilespmem:s16], [sflag:$0x1] =	stream.indirect_vreg.gather [hbm4b:s11+s5], $0x80, v3, vm0, $0xb8;
	[tilespmem:$0x18100] =	vst v63  }
0x18c: {  	v3 =	vld [tilespmem:$0x10];
	_ =	sdelay $0x4  }
0x18d: {  	v57 =	vshrl.u32 v3, $0x3  }
0x18e: {  	v4 =	vmul.u32 $0x30, v57  }
0x18f: {  	v3 =	vand.u32 $0x7, v3  }
0x190: {  	v3 =	vor.u32 v3, v4  }
0x191: {  	v4 =	vperm.xlane v3, v0;
	_ =	sdelay $0x1  }
0x192: {  	v4 =	vadd.s32 v1, v4;
	_ =	sdelay $0x3  }
0x193: {  	v3 =	vperm.xlane v3, v2  }
0x194: {  	[tilespmem:s17], [sflag:$0x1] =	stream.indirect_vreg.gather [hbm4b:s2+s5], $0x80, v4, vm0, $0xb8;
	[tilespmem:$0x18100] =	vst v63  }
0x195: {  	v3 =	vadd.s32 v1, v3  }
0x196: {  	[tilespmem:s18], [sflag:$0x1] =	stream.indirect_vreg.gather [hbm4b:s10+s5], $0x80, v4, vm0, $0xb8;
	[tilespmem:$0x18100] =	vst v63  }
0x197: {  	_ = 	snop  }
0x198: {  	[tilespmem:s20], [sflag:$0x1] =	stream.indirect_vreg.gather [hbm4b:s11+s5], $0x80, v4, vm0, $0xb8;
	[tilespmem:$0x18100] =	vst v63  }
0x199: {  	_ = 	snop  }
0x19a: {  	[tilespmem:s21], [sflag:$0x1] =	stream.indirect_vreg.gather [hbm4b:s2+s5], $0x80, v3, vm0, $0xb8;
	[tilespmem:$0x18100] =	vst v63  }
0x19b: {  	_ = 	snop  }
0x19c: {  	[tilespmem:s22], [sflag:$0x1] =	stream.indirect_vreg.gather [hbm4b:s10+s5], $0x80, v3, vm0, $0xb8;
	[tilespmem:$0x18100] =	vst v63  }
0x19d: {  	_ = 	snop  }
0x19e: {  	[tilespmem:s23], [sflag:$0x1] =	stream.indirect_vreg.gather [hbm4b:s11+s5], $0x80, v3, vm0, $0xb8;
	[tilespmem:$0x18100] =	vst v63  }
0x19f: {  	v3 =	vld [tilespmem:$0x20];
	_ =	sdelay $0x4  }
0x1a0: {  	v58 =	vshrl.u32 v3, $0x3  }
0x1a1: {  	v4 =	vmul.u32 $0x30, v58  }
0x1a2: {  	v3 =	vand.u32 $0x7, v3  }
0x1a3: {  	v3 =	vor.u32 v3, v4  }
0x1a4: {  	v4 =	vperm.xlane v3, v0;
	_ =	sdelay $0x1  }
0x1a5: {  	v4 =	vadd.s32 v1, v4;
	_ =	sdelay $0x3  }
0x1a6: {  	v3 =	vperm.xlane v3, v2  }
0x1a7: {  	[tilespmem:s24], [sflag:$0x1] =	stream.indirect_vreg.gather [hbm4b:s2+s5], $0x80, v4, vm0, $0xb8;
	[tilespmem:$0x18100] =	vst v63  }
0x1a8: {  	s31 =	simm.s32 $0x6900;
	v3 =	vadd.s32 v1, v3  }
0x1a9: {  	[tilespmem:s31], [sflag:$0x1] =	stream.indirect_vreg.gather [hbm4b:s10+s5], $0x80, v4, vm0, $0xb8;
	[tilespmem:$0x18100] =	vst v63  }
0x1aa: {  	s30 =	simm.s32 $0x7100  }
0x1ab: {  	[tilespmem:s30], [sflag:$0x1] =	stream.indirect_vreg.gather [hbm4b:s11+s5], $0x80, v4, vm0, $0xb8;
	[tilespmem:$0x18100] =	vst v63  }
0x1ac: {  	s31 =	simm.s32 $0x7900  }
0x1ad: {  	[tilespmem:s31], [sflag:$0x1] =	stream.indirect_vreg.gather [hbm4b:s2+s5], $0x80, v3, vm0, $0xb8;
	[tilespmem:$0x18100] =	vst v63  }
0x1ae: {  	s30 =	simm.s32 $0x8100  }
0x1af: {  	[tilespmem:s30], [sflag:$0x1] =	stream.indirect_vreg.gather [hbm4b:s10+s5], $0x80, v3, vm0, $0xb8;
	[tilespmem:$0x18100] =	vst v63  }
0x1b0: {  	s31 =	simm.s32 $0x8900  }
0x1b1: {  	[tilespmem:s31], [sflag:$0x1] =	stream.indirect_vreg.gather [hbm4b:s11+s5], $0x80, v3, vm0, $0xb8;
	[tilespmem:$0x18100] =	vst v63  }
0x1b2: {  	v3 =	vld [tilespmem:$0x30];
	_ =	sdelay $0x4  }
0x1b3: {  	v59 =	vshrl.u32 v3, $0x3  }
0x1b4: {  	v4 =	vmul.u32 $0x30, v59  }
0x1b5: {  	v3 =	vand.u32 $0x7, v3  }
0x1b6: {  	v3 =	vor.u32 v3, v4  }
0x1b7: {  	v4 =	vperm.xlane v3, v0;
	_ =	sdelay $0x1  }
0x1b8: {  	v4 =	vadd.s32 v1, v4;
	_ =	sdelay $0x3  }
0x1b9: {  	s30 =	simm.s32 $0x9100;
	v3 =	vperm.xlane v3, v2  }
0x1ba: {  	[tilespmem:s30], [sflag:$0x1] =	stream.indirect_vreg.gather [hbm4b:s2+s5], $0x80, v4, vm0, $0xb8;
	[tilespmem:$0x18100] =	vst v63  }
0x1bb: {  	s31 =	simm.s32 $0x9900;
	v3 =	vadd.s32 v1, v3  }
0x1bc: {  	[tilespmem:s31], [sflag:$0x1] =	stream.indirect_vreg.gather [hbm4b:s10+s5], $0x80, v4, vm0, $0xb8;
	[tilespmem:$0x18100] =	vst v63  }
0x1bd: {  	s30 =	simm.s32 $0xA100  }
0x1be: {  	[tilespmem:s30], [sflag:$0x1] =	stream.indirect_vreg.gather [hbm4b:s11+s5], $0x80, v4, vm0, $0xb8;
	[tilespmem:$0x18100] =	vst v63  }
0x1bf: {  	s31 =	simm.s32 $0xA900  }
0x1c0: {  	[tilespmem:s31], [sflag:$0x1] =	stream.indirect_vreg.gather [hbm4b:s2+s5], $0x80, v3, vm0, $0xb8;
	[tilespmem:$0x18100] =	vst v63  }
0x1c1: {  	s30 =	simm.s32 $0xB100  }
0x1c2: {  	[tilespmem:s30], [sflag:$0x1] =	stream.indirect_vreg.gather [hbm4b:s10+s5], $0x80, v3, vm0, $0xb8;
	[tilespmem:$0x18100] =	vst v63  }
0x1c3: {  	s31 =	simm.s32 $0xB900  }
0x1c4: {  	[tilespmem:s31], [sflag:$0x1] =	stream.indirect_vreg.gather [hbm4b:s11+s5], $0x80, v3, vm0, $0xb8;
	[tilespmem:$0x18100] =	vst v63  }
0x1c5: {  	_ =	swait.ge [sflag:s28], $0xC000  }
0x1c6: {  	[sflag:s28] =	ssyncset.done $0x0  }
0x1c7: {  	s30 =	rddreg [dreg:$0x12];
	[sflag:s28] =	ssyncadd.s32 $0xFFFF4000  }
0x1c8: {  	[hbm4b:s30+s5] =	stream.linear.scatter [tilespmem:s19], [sflag:$0x4], $0xC000, $0x38;
	[tilespmem:$0x18100] =	vst v63  }
0x1c9: {  	s3 =	rddreg [dreg:$0x13]  }
0x1ca: {  	[hbm4b:s3+s5] =	stream.linear.scatter [tilespmem:s19], [sflag:$0x4], $0xC000, $0x38;
	[tilespmem:$0x18100] =	vst v63  }
0x1cb: {  	_ =	swait.ge [sflag:s29], $0xC000  }
0x1cc: {  	[sflag:s29] =	ssyncset.done $0x0  }
0x1cd: {  	[sflag:s29] =	ssyncadd.s32 $0xFFFF4000  }
0x1ce: {  	_ =	swait.ge [sflag:s29], $0xC000  }
0x1cf: {  	[sflag:s29] =	ssyncset.done $0x0  }
0x1d0: {  	[sflag:s29] =	ssyncadd.s32 $0xFFFF4000  }
0x1d1: {  	v3 =	vld [tilespmem:$0x80];
	_ =	sdelay $0x4  }
0x1d2: {  	v60 =	vshrl.u32 v3, $0x3  }
0x1d3: {  	v4 =	vmul.u32 $0x30, v60  }
0x1d4: {  	v3 =	vand.u32 $0x7, v3  }
0x1d5: {  	v3 =	vor.u32 v3, v4  }
0x1d6: {  	v4 =	vperm.xlane v3, v0;
	_ =	sdelay $0x1  }
0x1d7: {  	v4 =	vadd.s32 v1, v4;
	_ =	sdelay $0x3  }
0x1d8: {  	v3 =	vperm.xlane v3, v2  }
0x1d9: {  	[tilespmem:s19], [sflag:$0x2] =	stream.indirect_vreg.gather [hbm4b:s2+s5], $0x80, v4, vm0, $0xb8;
	[tilespmem:$0x18100] =	vst v63  }
0x1da: {  	s31 =	simm.s32 $0xC900;
	v3 =	vadd.s32 v1, v3  }
0x1db: {  	[tilespmem:s31], [sflag:$0x2] =	stream.indirect_vreg.gather [hbm4b:s10+s5], $0x80, v4, vm0, $0xb8;
	[tilespmem:$0x18100] =	vst v63  }
0x1dc: {  	s30 =	simm.s32 $0xD100  }
0x1dd: {  	[tilespmem:s30], [sflag:$0x2] =	stream.indirect_vreg.gather [hbm4b:s11+s5], $0x80, v4, vm0, $0xb8;
	[tilespmem:$0x18100] =	vst v63  }
0x1de: {  	s31 =	simm.s32 $0xD900  }
0x1df: {  	[tilespmem:s31], [sflag:$0x2] =	stream.indirect_vreg.gather [hbm4b:s2+s5], $0x80, v3, vm0, $0xb8;
	[tilespmem:$0x18100] =	vst v63  }
0x1e0: {  	s30 =	simm.s32 $0xE100  }
0x1e1: {  	[tilespmem:s30], [sflag:$0x2] =	stream.indirect_vreg.gather [hbm4b:s10+s5], $0x80, v3, vm0, $0xb8;
	[tilespmem:$0x18100] =	vst v63  }
0x1e2: {  	s31 =	simm.s32 $0xE900  }
0x1e3: {  	[tilespmem:s31], [sflag:$0x2] =	stream.indirect_vreg.gather [hbm4b:s11+s5], $0x80, v3, vm0, $0xb8;
	[tilespmem:$0x18100] =	vst v63  }
0x1e4: {  	v3 =	vld [tilespmem:$0x90];
	_ =	sdelay $0x4  }
0x1e5: {  	v61 =	vshrl.u32 v3, $0x3  }
0x1e6: {  	v4 =	vmul.u32 $0x30, v61  }
0x1e7: {  	v3 =	vand.u32 $0x7, v3  }
0x1e8: {  	v3 =	vor.u32 v3, v4  }
0x1e9: {  	v4 =	vperm.xlane v3, v0;
	_ =	sdelay $0x1  }
0x1ea: {  	v4 =	vadd.s32 v1, v4;
	_ =	sdelay $0x3  }
0x1eb: {  	s30 =	simm.s32 $0xF100;
	v3 =	vperm.xlane v3, v2  }
0x1ec: {  	[tilespmem:s30], [sflag:$0x2] =	stream.indirect_vreg.gather [hbm4b:s2+s5], $0x80, v4, vm0, $0xb8;
	[tilespmem:$0x18100] =	vst v63  }
0x1ed: {  	s31 =	simm.s32 $0xF900;
	v3 =	vadd.s32 v1, v3  }
0x1ee: {  	[tilespmem:s31], [sflag:$0x2] =	stream.indirect_vreg.gather [hbm4b:s10+s5], $0x80, v4, vm0, $0xb8;
	[tilespmem:$0x18100] =	vst v63  }
0x1ef: {  	s30 =	simm.s32 $0x10100  }
0x1f0: {  	[tilespmem:s30], [sflag:$0x2] =	stream.indirect_vreg.gather [hbm4b:s11+s5], $0x80, v4, vm0, $0xb8;
	[tilespmem:$0x18100] =	vst v63  }
0x1f1: {  	s31 =	simm.s32 $0x10900  }
0x1f2: {  	[tilespmem:s31], [sflag:$0x2] =	stream.indirect_vreg.gather [hbm4b:s2+s5], $0x80, v3, vm0, $0xb8;
	[tilespmem:$0x18100] =	vst v63  }
0x1f3: {  	s30 =	simm.s32 $0x11100  }
0x1f4: {  	[tilespmem:s30], [sflag:$0x2] =	stream.indirect_vreg.gather [hbm4b:s10+s5], $0x80, v3, vm0, $0xb8;
	[tilespmem:$0x18100] =	vst v63  }
0x1f5: {  	s31 =	simm.s32 $0x11900  }
0x1f6: {  	[tilespmem:s31], [sflag:$0x2] =	stream.indirect_vreg.gather [hbm4b:s11+s5], $0x80, v3, vm0, $0xb8;
	[tilespmem:$0x18100] =	vst v63  }
0x1f7: {  	v3 =	vld [tilespmem:$0xA0];
	_ =	sdelay $0x4  }
0x1f8: {  	v62 =	vshrl.u32 v3, $0x3  }
0x1f9: {  	v4 =	vmul.u32 $0x30, v62  }
0x1fa: {  	v3 =	vand.u32 $0x7, v3  }
0x1fb: {  	v3 =	vor.u32 v3, v4  }
0x1fc: {  	v4 =	vperm.xlane v3, v0;
	_ =	sdelay $0x1  }
0x1fd: {  	v4 =	vadd.s32 v1, v4;
	_ =	sdelay $0x3  }
0x1fe: {  	s30 =	simm.s32 $0x12100;
	v3 =	vperm.xlane v3, v2  }
0x1ff: {  	[tilespmem:s30], [sflag:$0x2] =	stream.indirect_vreg.gather [hbm4b:s2+s5], $0x80, v4, vm0, $0xb8;
	[tilespmem:$0x18100] =	vst v63  }
0x200: {  	s31 =	simm.s32 $0x12900;
	v3 =	vadd.s32 v1, v3  }
0x201: {  	[tilespmem:s31], [sflag:$0x2] =	stream.indirect_vreg.gather [hbm4b:s10+s5], $0x80, v4, vm0, $0xb8;
	[tilespmem:$0x18100] =	vst v63  }
0x202: {  	s30 =	simm.s32 $0x13100  }
0x203: {  	[tilespmem:s30], [sflag:$0x2] =	stream.indirect_vreg.gather [hbm4b:s11+s5], $0x80, v4, vm0, $0xb8;
	[tilespmem:$0x18100] =	vst v63  }
0x204: {  	s31 =	simm.s32 $0x13900  }
0x205: {  	[tilespmem:s31], [sflag:$0x2] =	stream.indirect_vreg.gather [hbm4b:s2+s5], $0x80, v3, vm0, $0xb8;
	[tilespmem:$0x18100] =	vst v63  }
0x206: {  	s30 =	simm.s32 $0x14100  }
0x207: {  	[tilespmem:s30], [sflag:$0x2] =	stream.indirect_vreg.gather [hbm4b:s10+s5], $0x80, v3, vm0, $0xb8;
	[tilespmem:$0x18100] =	vst v63  }
0x208: {  	s31 =	simm.s32 $0x14900  }
0x209: {  	[tilespmem:s31], [sflag:$0x2] =	stream.indirect_vreg.gather [hbm4b:s11+s5], $0x80, v3, vm0, $0xb8;
	[tilespmem:$0x18100] =	vst v63  }
0x20a: {  	v3 =	vld [tilespmem:$0xB0];
	_ =	sdelay $0x4  }
0x20b: {  	v63 =	vshrl.u32 v3, $0x3  }
0x20c: {  	v4 =	vmul.u32 $0x30, v63  }
0x20d: {  	v3 =	vand.u32 $0x7, v3  }
0x20e: {  	v3 =	vor.u32 v3, v4  }
0x20f: {  	v4 =	vperm.xlane v3, v0;
	_ =	sdelay $0x1  }
0x210: {  	v4 =	vadd.s32 v1, v4;
	_ =	sdelay $0x3  }
0x211: {  	s30 =	simm.s32 $0x15100;
	v3 =	vperm.xlane v3, v2  }
0x212: {  	[tilespmem:s30], [sflag:$0x2] =	stream.indirect_vreg.gather [hbm4b:s2+s5], $0x80, v4, vm0, $0xb8;
	[tilespmem:$0x18100] =	vst v63  }
0x213: {  	s31 =	simm.s32 $0x15900;
	v3 =	vadd.s32 v1, v3  }
0x214: {  	[tilespmem:s31], [sflag:$0x2] =	stream.indirect_vreg.gather [hbm4b:s10+s5], $0x80, v4, vm0, $0xb8;
	[tilespmem:$0x18100] =	vst v63  }
0x215: {  	s30 =	simm.s32 $0x16100  }
0x216: {  	[tilespmem:s30], [sflag:$0x2] =	stream.indirect_vreg.gather [hbm4b:s11+s5], $0x80, v4, vm0, $0xb8;
	[tilespmem:$0x18100] =	vst v63  }
0x217: {  	s31 =	simm.s32 $0x16900  }
0x218: {  	[tilespmem:s31], [sflag:$0x2] =	stream.indirect_vreg.gather [hbm4b:s2+s5], $0x80, v3, vm0, $0xb8;
	[tilespmem:$0x18100] =	vst v63  }
0x219: {  	s30 =	simm.s32 $0x17100  }
0x21a: {  	[tilespmem:s30], [sflag:$0x2] =	stream.indirect_vreg.gather [hbm4b:s10+s5], $0x80, v3, vm0, $0xb8;
	[tilespmem:$0x18100] =	vst v63  }
0x21b: {  	s31 =	simm.s32 $0x17900  }
0x21c: {  	[tilespmem:s31], [sflag:$0x2] =	stream.indirect_vreg.gather [hbm4b:s11+s5], $0x80, v3, vm0, $0xb8;
	[tilespmem:$0x18100] =	vst v63  }
0x21d: {  	_ =	swait.ge [sflag:s25], $0xC000  }
0x21e: {  	[sflag:s25] =	ssyncset.done $0x0  }
0x21f: {  	s30 =	rddreg [dreg:$0x14];
	[sflag:s25] =	ssyncadd.s32 $0xFFFF4000  }
0x220: {  	[hbm4b:s30+s5] =	stream.linear.scatter [tilespmem:s14], [sflag:$0x3], $0xC000, $0x38;
	[tilespmem:$0x18100] =	vst v63  }
0x221: {  	s3 =	rddreg [dreg:$0x15]  }
0x222: {  	[hbm4b:s3+s5] =	stream.linear.scatter [tilespmem:s14], [sflag:$0x3], $0xC000, $0x38;
	[tilespmem:$0x18100] =	vst v63  }
0x223: {  	_ =	swait.ge [sflag:s28], $0xC000  }
0x224: {  	[sflag:s28] =	ssyncset.done $0x0  }
0x225: {  	s30 =	rddreg [dreg:$0x16];
	[sflag:s28] =	ssyncadd.s32 $0xFFFF4000  }
0x226: {  	[hbm4b:s30+s5] =	stream.linear.scatter [tilespmem:s19], [sflag:$0x4], $0xC000, $0x38;
	[tilespmem:$0x18100] =	vst v63  }
0x227: {  	s3 =	rddreg [dreg:$0x17]  }
0x228: {  	[hbm4b:s3+s5] =	stream.linear.scatter [tilespmem:s19], [sflag:$0x4], $0xC000, $0x38;
	[tilespmem:$0x18100] =	vst v63  }
0x229: {  	_ =	swait.ge [sflag:s26], $0xC000  }
0x22a: {  	[sflag:s26] =	ssyncset.done $0x0  }
0x22b: {  	[sflag:s26] =	ssyncadd.s32 $0xFFFF4000  }
0x22c: {  	_ =	swait.ge [sflag:s26], $0xC000  }
0x22d: {  	[sflag:s26] =	ssyncset.done $0x0  }
0x22e: {  	[sflag:s26] =	ssyncadd.s32 $0xFFFF4000  }
0x22f: {  	p0 =	sne.s32 s12, $0x1;
	_ =	swait.ge [sflag:s29], $0xC000  }
.Ltmp0:
0x230: {  	[sflag:s29] =	ssyncset.done $0x0;
	(pc) =	sbr.rel @p0 .LBB2_1-.Ltmp0, $4  }
0x231: {  	[sflag:s29] =	ssyncadd.s32 $0xFFFF4000  }
0x232: {  	_ =	swait.ge [sflag:s29], $0xC000  }
0x233: {  	[sflag:s29] =	ssyncset.done $0x0  }
0x234: {  	s12 =	sadd.s32 $0xFFFFFFFF, s12;
	[sflag:s29] =	ssyncadd.s32 $0xFFFF4000  }
0x235: {  	_ =	sfence.sel $0x180000  }
0x236: {  	[bflag:$0x0] =	sbarrier.arrive $0xFFFF  }
0x237: {  	_ =	strace $0x90000047  }
0x238: {  	s0 =	stileid.u32;
	[bflag:$0x2] =	sbarrier.arrive $0xFFFF  }
0x239: {  	p0 =	sne.s32 s0, $0x0;
	s0 =	rddreg [dreg:$0xa]  }
0x23a: {  	s0 =	sadd.s32 @!p0 $0x100000, s0  }
0x23b: {  	[sflag:s0] =	ssyncadd.tile.s32 @!p0 $0x1;
	_ =	shalt  }
.Lfunc_end2:
_tile_overlayer_lowered:
.L_overlay_start_2:
0x23c: {  	(tag) =	ssettag $0x2  }
0x23d: {  	s0 =	rddreg [dreg:$0x0];
	s2 =	stileid.u32  }
0x23e: {  	s1 =	rddreg [dreg:$0x1];
	p0 =	sne.s32 s2, $0x0  }
0x23f: {  	s3 =	rddreg [dreg:$0x2];
	[bflag:$0x3] =	sbarrier.arrive $0xFFFF;
	s2 =	simm.s32 @!p0 $0x1C05  }
0x240: {  	[timem:s3], [sflag:s2] =	dma.local @!p0 [hbm:s0], s1  }
0x241: {  	s0 =	simm.s32 @!p0 $0x5  }
0x242: {  	_ =	swait.ge @!p0 [sflag:s0], s1  }
0x243: {  	s1 =	ssub.s32 @!p0 $0x0, s1;
	[sflag:s0] =	ssyncset.done @!p0 $0x0  }
0x244: {  	[sflag:s0] =	ssyncadd.s32 @!p0 s1  }
0x245: {  	[bflag:$0x3] =	sbarrier.arrive $0xFFFF  }
0x246: {  	_ =	shalt  }

</sc_bundles>
